<compile_context>
chip_gen: v7x
topology: tpu7x:2x2x1
jax: 0.10.2.dev20260603
libtpu: 0.0.44.dev20260713+nightly
codegen_flags: <defaults>
</compile_context>

<pallas_src>
import functools
import math

import jax
import jax.numpy as jnp
from jax import lax
from jax.experimental import pallas as pl
from jax.experimental.pallas import tpu as pltpu

F32 = jnp.float32

B = 8
N = 576
D = 768
NH = 12
HD = D // NH
FFN = 3072
K1 = 288
K2 = 144
M = N - K2


def _dot(a, b, tb=False, prec=None):
    dims = (((1,), (1 if tb else 0,)), ((), ()))
    if prec is None:
        a = a.astype(jnp.bfloat16)
        b = b.astype(jnp.bfloat16)
        return lax.dot_general(a, b, dims, preferred_element_type=F32)
    return lax.dot_general(a, b, dims, precision=prec,
                           preferred_element_type=F32)


_EXACT = lax.Precision.HIGHEST


def _ln(x, g, b):
    m = jnp.mean(x, axis=-1, keepdims=True)
    v = jnp.mean((x - m) ** 2, axis=-1, keepdims=True)
    return (x - m) / jnp.sqrt(v + 1e-5) * g + b


def _full_spec(shape):
    nd = len(shape)
    return pl.BlockSpec(shape, lambda i: (0,) * nd)


def _batch_spec(shape):
    nd = len(shape)
    return pl.BlockSpec((1,) + tuple(shape[1:]),
                        lambda i: (i,) + (0,) * (nd - 1))


def _pcall(body, grid, in_arrays, out_shapes, batch_in, batch_out):
    in_specs = [(_batch_spec(a.shape) if bb else _full_spec(a.shape))
                for a, bb in zip(in_arrays, batch_in)]
    out_specs = [(_batch_spec(s.shape) if bb else _full_spec(s.shape))
                 for s, bb in zip(out_shapes, batch_out)]
    single = len(out_shapes) == 1
    return pl.pallas_call(
        body,
        grid=grid,
        in_specs=in_specs,
        out_specs=out_specs[0] if single else tuple(out_specs),
        out_shape=out_shapes[0] if single else tuple(out_shapes),
        compiler_params=pltpu.CompilerParams(
            dimension_semantics=("arbitrary",)),
    )(*in_arrays)



def _attn_body(xq_ref, xkv_ref, g_ref, b_ref,
               wq_ref, bq_ref, wk_ref, bk_ref, wv_ref, bv_ref,
               wo_ref, bo_ref, o_ref, *, cross):
    x = xq_ref[0]
    y = _ln(x, g_ref[...], b_ref[...])
    kv = xkv_ref[0] if cross else y
    q = _dot(y, wq_ref[...]) + bq_ref[...]
    k = _dot(kv, wk_ref[...]) + bk_ref[...]
    v = _dot(kv, wv_ref[...]) + bv_ref[...]
    scale = 1.0 / math.sqrt(HD)
    o_heads = []
    for h in range(NH):
        sl = slice(h * HD, (h + 1) * HD)
        s = _dot(q[:, sl], k[:, sl], tb=True) * scale
        s = s - jnp.max(s, axis=-1, keepdims=True)
        e = jnp.exp(s)
        w = e / jnp.sum(e, axis=-1, keepdims=True)
        o_heads.append(_dot(w, v[:, sl]))
    o = jnp.concatenate(o_heads, axis=-1)
    o_ref[0] = x + _dot(o, wo_ref[...]) + bo_ref[...]


def _attn(xq, xkv, lng, lnb, p, cross):
    Lq = xq.shape[1]
    body = functools.partial(_attn_body, cross=cross)
    ins = [xq, xkv, lng, lnb, p['wq'], p['bq'], p['wk'], p['bk'],
           p['wv'], p['bv'], p['wo'], p['bo']]
    bi = [True, True] + [False] * 10
    return _pcall(body, (B,), ins,
                  [jax.ShapeDtypeStruct((B, Lq, D), F32)], bi, [True])



def _ffn_body(x_ref, g_ref, b_ref, w1_ref, b1_ref, w2_ref, b2_ref, o_ref,
              *, act):
    x = x_ref[0]
    y = _ln(x, g_ref[...], b_ref[...])
    h = _dot(y, w1_ref[...]) + b1_ref[...]
    if act == 'gelu':
        a = 0.5 * h * (1.0 + lax.erf(h / math.sqrt(2.0)))
    else:
        a = jnp.maximum(h, 0.0)
    o_ref[0] = x + _dot(a, w2_ref[...]) + b2_ref[...]


def _ffn(x, g, b, w1, b1, w2, b2, act):
    Lq = x.shape[1]
    body = functools.partial(_ffn_body, act=act)
    return _pcall(body, (B,), [x, g, b, w1, b1, w2, b2],
                  [jax.ShapeDtypeStruct((B, Lq, D), F32)],
                  [True] + [False] * 6, [True])



def _mask_body(pos_ref, dp_ref, q0_ref):
    pos = pos_ref[0]
    pp = lax.broadcasted_iota(jnp.int32, (N, K2), 0).astype(F32)
    hits = (jnp.abs(pos - pp) < 0.5).astype(F32)
    kept = jnp.sum(hits, axis=1)
    nk = 1.0 - kept
    ii = lax.broadcasted_iota(jnp.int32, (N, N), 0)
    jj = lax.broadcasted_iota(jnp.int32, (N, N), 1)
    lt = (ii < jj).astype(F32)
    dest = _dot(nk.reshape(1, N), lt, prec=_EXACT)
    mm = lax.broadcasted_iota(jnp.int32, (M, N), 0).astype(F32)
    sel = ((dest == mm) & (nk.reshape(1, N) > 0.5)).astype(F32)
    q0_ref[0] = _dot(sel, dp_ref[...], prec=_EXACT)


def _mask(pos, dec_pos):
    return _pcall(_mask_body, (B,), [pos, dec_pos],
                  [jax.ShapeDtypeStruct((B, M, D), F32)],
                  [True, False], [True])



def _out_body(x_ref, w_ref, b_ref, o_ref):
    o_ref[0] = _dot(x_ref[0], w_ref[...]) + b_ref[...]


def _out(x, w, b):
    return _pcall(_out_body, (B,), [x, w, b],
                  [jax.ShapeDtypeStruct((B, M, D), F32)],
                  [True, False, False], [True])



def _score_ln(x, g, b):
    m = x.mean(-1, keepdims=True)
    v = ((x - m) ** 2).mean(-1, keepdims=True)
    return (x - m) / jnp.sqrt(v + 1e-5) * g + b


def _score_mha(xq, p, nhead):
    Bq, Lq, Dm = xq.shape
    hd = Dm // nhead
    q = (xq @ p['wq'] + p['bq']).reshape(Bq, Lq, nhead, hd).transpose(0, 2, 1, 3)
    k = (xq @ p['wk'] + p['bk']).reshape(Bq, Lq, nhead, hd).transpose(0, 2, 1, 3)
    v = (xq @ p['wv'] + p['bv']).reshape(Bq, Lq, nhead, hd).transpose(0, 2, 1, 3)
    s = (q @ k.transpose(0, 1, 3, 2)) / math.sqrt(hd)
    w = jax.nn.softmax(s, axis=-1)
    o = (w @ v).transpose(0, 2, 1, 3).reshape(Bq, Lq, Dm)
    return o @ p['wo'] + p['bo'], w.mean(axis=1)


def _score_block(x, p, nhead):
    y = _score_ln(x, p['ln1_g'], p['ln1_b'])
    y, attn = _score_mha(y, p['attn'], nhead)
    x = x + y
    h = _score_ln(x, p['ln2_g'], p['ln2_b'])
    x = x + (jax.nn.gelu(h @ p['w1'] + p['b1'], approximate=False)
             @ p['w2'] + p['b2'])
    return x, attn


def _selection(x, params):
    tok = x @ params['in_w'] + params['in_b'] + params['pos_embed'][None]
    pos_idx = jnp.broadcast_to(jnp.arange(N), (B, N))
    sched = [K1, K2]
    stage = 0
    for l in range(4):
        tok, attn = _score_block(tok, params['blocks'][l], NH)
        if l in (2, 3):
            Ncur = tok.shape[1]
            eye = jnp.eye(Ncur, dtype=bool)[None]
            masked = jnp.where(eye, -jnp.inf, attn)
            r = jnp.log(jnp.clip(masked.max(axis=1), 1e-8, None))
            n_keep = sched[stage]
            stage += 1
            _, idx = jax.lax.top_k(r, n_keep)
            idx = jnp.sort(idx, axis=-1)
            tok = jnp.take_along_axis(tok, idx[..., None], axis=1)
            pos_idx = jnp.take_along_axis(pos_idx, idx, axis=1)
    return pos_idx, tok



def kernel(x, params):
    p = params
    pos_idx, mem = _selection(x, p)
    posf = pos_idx.astype(F32).reshape(B, 1, K2)

    q = _mask(posf, p['dec_pos'])
    for l in range(2):
        dp = p['dec_layers'][l]
        q = _attn(q, q, dp['ln1_g'], dp['ln1_b'], dp['sa'], cross=False)
        q = _attn(q, mem, dp['ln2_g'], dp['ln2_b'], dp['ca'], cross=True)
        q = _ffn(q, dp['ln3_g'], dp['ln3_b'], dp['w1'], dp['b1'],
                 dp['w2'], dp['b2'], act='relu')
    pred = _out(q, p['out_w'], p['out_b'])
    return pred.reshape(B * M, D)

# --- scband reference (transcript-rebuilt; emitter-appended) ---
"""Pipeline reference for scband-drop-tok-78271484003248 (READ-ONLY COPY).

The authoritative reference and input builder live on the scoring server;
editing this copy changes nothing except your own understanding.
"""

import math
import jax, jax.numpy as jnp
import numpy as np

B = 8
GRID = 24
N = GRID * GRID
D_TEACHER = 768
D_MODEL = 768
N_LAYERS = 4
N_HEADS = 12
FFN = 3072
DROP_AFTER = (2, 3)
K_TOTAL = 144
DEC_LAYERS = 2
DEC_HEADS = 12
DEC_FFN = 3072


def _schedule(K, n_stages, N_total):
    ratio = (K / N_total) ** (1.0 / n_stages)
    sched = []
    cur = N_total
    for _ in range(n_stages):
        cur = max(K, int(round(cur * ratio)))
        sched.append(cur)
    sched[-1] = K
    return sched


def _ln(x, g, b):
    m = x.mean(-1, keepdims=True)
    v = ((x - m) ** 2).mean(-1, keepdims=True)
    return (x - m) / jnp.sqrt(v + 1e-5) * g + b


def _mha(xq, xkv, p, nhead):
    Bq, Lq, D = xq.shape
    Lk = xkv.shape[1]
    hd = D // nhead
    q = (xq @ p['wq'] + p['bq']).reshape(Bq, Lq, nhead, hd).transpose(0, 2, 1, 3)
    k = (xkv @ p['wk'] + p['bk']).reshape(Bq, Lk, nhead, hd).transpose(0, 2, 1, 3)
    v = (xkv @ p['wv'] + p['bv']).reshape(Bq, Lk, nhead, hd).transpose(0, 2, 1, 3)
    s = (q @ k.transpose(0, 1, 3, 2)) / math.sqrt(hd)
    w = jax.nn.softmax(s, axis=-1)
    o = (w @ v).transpose(0, 2, 1, 3).reshape(Bq, Lq, D)
    return o @ p['wo'] + p['bo'], w.mean(axis=1)


def _block(x, p, nhead):
    y = _ln(x, p['ln1_g'], p['ln1_b'])
    y, attn = _mha(y, y, p['attn'], nhead)
    x = x + y
    h = _ln(x, p['ln2_g'], p['ln2_b'])
    x = x + (jax.nn.gelu(h @ p['w1'] + p['b1'], approximate=False) @ p['w2'] + p['b2'])
    return x, attn


def _dec_layer(x, mem, p, nhead):
    y1 = _ln(x, p['ln1_g'], p['ln1_b'])
    a, _ = _mha(y1, y1, p['sa'], nhead)
    x = x + a
    y2 = _ln(x, p['ln2_g'], p['ln2_b'])
    c, _ = _mha(y2, mem, p['ca'], nhead)
    x = x + c
    y3 = _ln(x, p['ln3_g'], p['ln3_b'])
    x = x + (jax.nn.relu(y3 @ p['w1'] + p['b1']) @ p['w2'] + p['b2'])
    return x


def forward(x, params):
    Bsz = x.shape[0]
    tok = x @ params['in_w'] + params['in_b'] + params['pos_embed'][None]
    sched = _schedule(K_TOTAL, len(DROP_AFTER), N)
    stage = 0
    pos_idx = jnp.broadcast_to(jnp.arange(N), (Bsz, N))
    for l in range(N_LAYERS):
        tok, attn = _block(tok, params['blocks'][l], N_HEADS)
        if l in DROP_AFTER:
            Ncur = tok.shape[1]
            eye = jnp.eye(Ncur, dtype=bool)[None]
            masked = jnp.where(eye, -jnp.inf, attn)
            # relational relevance r_i = log(max_{j != i} attn[j, i])
            r = jnp.log(jnp.clip(masked.max(axis=1), 1e-8, None))
            n_keep = sched[stage]
            stage += 1
            _, idx = jax.lax.top_k(r, n_keep)
            idx = jnp.sort(idx, axis=-1)
            tok = jnp.take_along_axis(tok, idx[..., None], axis=1)
            pos_idx = jnp.take_along_axis(pos_idx, idx, axis=1)
    keep_mask = jnp.zeros((Bsz, N), dtype=bool).at[jnp.arange(Bsz)[:, None], pos_idx].set(True)
    order = jnp.argsort(keep_mask.astype(jnp.int32), axis=1)  # stable: masked positions first, ascending
    M = N - K_TOTAL
    masked_idx = order[:, :M]
    q = params['dec_pos'][masked_idx]
    for l in range(DEC_LAYERS):
        q = _dec_layer(q, tok, params['dec_layers'][l], DEC_HEADS)
    pred = q @ params['out_w'] + params['out_b']
    return pred.reshape(Bsz * M, D_TEACHER)


def _attn_p(key, D):
    ks = jax.random.split(key, 4)
    z = jnp.zeros((D,), jnp.float32)
    return {'wq': 0.02 * jax.random.normal(ks[0], (D, D)), 'bq': z,
            'wk': 0.02 * jax.random.normal(ks[1], (D, D)), 'bk': z,
            'wv': 0.02 * jax.random.normal(ks[2], (D, D)), 'bv': z,
            'wo': 0.02 * jax.random.normal(ks[3], (D, D)), 'bo': z}


def _block_p(key, D, ffn):
    ks = jax.random.split(key, 3)
    one = jnp.ones((D,), jnp.float32)
    z = jnp.zeros((D,), jnp.float32)
    return {'ln1_g': one, 'ln1_b': z, 'attn': _attn_p(ks[0], D),
            'ln2_g': one, 'ln2_b': z,
            'w1': 0.02 * jax.random.normal(ks[1], (D, ffn)), 'b1': jnp.zeros((ffn,), jnp.float32),
            'w2': 0.02 * jax.random.normal(ks[2], (ffn, D)), 'b2': z}


def _dec_p(key, D, ffn):
    ks = jax.random.split(key, 4)
    one = jnp.ones((D,), jnp.float32)
    z = jnp.zeros((D,), jnp.float32)
    return {'ln1_g': one, 'ln1_b': z, 'sa': _attn_p(ks[0], D),
            'ln2_g': one, 'ln2_b': z, 'ca': _attn_p(ks[1], D),
            'ln3_g': one, 'ln3_b': z,
            'w1': 0.02 * jax.random.normal(ks[2], (D, ffn)), 'b1': jnp.zeros((ffn,), jnp.float32),
            'w2': 0.02 * jax.random.normal(ks[3], (ffn, D)), 'b2': z}


def setup_inputs(seed: int = 0) -> dict:
    key = jax.random.key(seed)
    x = jax.random.normal(jax.random.fold_in(key, 0), (B, N, D_TEACHER), jnp.float32)
    ks = jax.random.split(jax.random.fold_in(key, 1), 12)
    params = {
        'in_w': 0.02 * jax.random.normal(ks[0], (D_TEACHER, D_MODEL)),
        'in_b': jnp.zeros((D_MODEL,), jnp.float32),
        'pos_embed': 0.02 * jax.random.normal(ks[1], (N, D_MODEL)),
        'blocks': [_block_p(ks[2 + i], D_MODEL, FFN) for i in range(N_LAYERS)],
        'dec_pos': 0.02 * jax.random.normal(ks[6], (N, D_MODEL)),
        'dec_layers': [_dec_p(ks[7 + i], D_MODEL, DEC_FFN) for i in range(DEC_LAYERS)],
        'out_w': 0.02 * jax.random.normal(ks[9], (D_MODEL, D_TEACHER)),
        'out_b': jnp.zeros((D_TEACHER,), jnp.float32),
    }
    return {'x': x, 'params': params}


def reference(x, params):
    return forward(x, params)

if __name__ == "__main__":
    import jax
    _d = setup_inputs()
    print(jax.jit(kernel)(*tuple(_d.values())))

</pallas_src>

<mosaic_0001>
module attributes {stable_mosaic.version = 14 : i64} {
  func.func @_mask_body(%arg0: i32, %arg1: memref<1x1x144xf32, #tpu.memory_space<vmem>>, %arg2: memref<576x768xf32, #tpu.memory_space<vmem>>, %arg3: memref<1x432x768xf32, #tpu.memory_space<vmem>>) attributes {dimension_semantics = [#tpu.dimension_semantics<arbitrary>], iteration_bounds = array<i64: 8>, scalar_prefetch = 0 : i64, scratch_operands = 0 : i64, tpu.core_type = #tpu.core_type<tc>, window_params = [{transform_indices = @transform_0, window_bounds = array<i64: 1, 1, 144>}, {pipeline_mode = #tpu.pipeline_mode<synchronous>, transform_indices = @transform_1, window_bounds = array<i64: 576, 768>}, {transform_indices = @transform_2, window_bounds = array<i64: 1, 432, 768>}]} {
    %get3A = arith.constant 0 : index
    %get3A_0 = arith.constant 0 : index
    %get3A_1 = arith.constant 0 : index
    %get3A_2 = vector.load %arg1[%get3A, %get3A_0, %get3A_1] : memref<1x1x144xf32, #tpu.memory_space<vmem>>, vector<1x1x144xf32>
    %get3A_3 = vector.shape_cast %get3A_2 : vector<1x1x144xf32> to vector<1x144xf32>
    %iota3A = tpu.iota {dimensions = array<i32: 0>} : vector<576x144xi32>
    %convert_element_type3A = arith.sitofp %iota3A : vector<576x144xi32> to vector<576x144xf32>
    %sub3A = vector.broadcast %get3A_3 : vector<1x144xf32> to vector<576x144xf32>
    %sub3A_4 = arith.subf %sub3A, %convert_element_type3A : vector<576x144xf32>
    %abs3A = math.absf %sub3A_4 : vector<576x144xf32>
    %lt3A = arith.constant 5.000000e-01 : f32
    %lt3A_5 = vector.broadcast %lt3A : f32 to vector<576x144xf32>
    %lt3A_6 = arith.cmpf olt, %abs3A, %lt3A_5 : vector<576x144xf32>
    %convert_element_type3A_7 = arith.extui %lt3A_6 : vector<576x144xi1> to vector<576x144xi32>
    %convert_element_type3A_8 = arith.sitofp %convert_element_type3A_7 : vector<576x144xi32> to vector<576x144xf32>
    %reduce_sum3A = arith.constant dense<0.000000e+00> : vector<576xf32>
    %reduce_sum3A_9 = vector.multi_reduction <add>, %convert_element_type3A_8, %reduce_sum3A [1] : vector<576x144xf32> to vector<576xf32>
    %sub3A_10 = arith.constant 1.000000e+00 : f32
    %sub3A_11 = vector.broadcast %sub3A_10 : f32 to vector<576xf32>
    %sub3A_12 = arith.subf %sub3A_11, %reduce_sum3A_9 : vector<576xf32>
    %iota3A_13 = tpu.iota {dimensions = array<i32: 0>} : vector<576x576xi32>
    %iota3A_14 = tpu.iota {dimensions = array<i32: 1>} : vector<576x576xi32>
    %lt3A_15 = arith.cmpi slt, %iota3A_13, %iota3A_14 : vector<576x576xi32>
    %convert_element_type3A_16 = arith.extui %lt3A_15 : vector<576x576xi1> to vector<576x576xi32>
    %convert_element_type3A_17 = arith.sitofp %convert_element_type3A_16 : vector<576x576xi32> to vector<576x576xf32>
    %reshape3A = vector.shape_cast %sub3A_12 : vector<576xf32> to vector<1x576xf32>
    %dot_general3A = arith.constant dense<0.000000e+00> : vector<1x576xf32>
    %dot_general3A_18 = tpu.matmul %reshape3A, %convert_element_type3A_17, %dot_general3A {dimension_numbers = #tpu.dot_dimension_numbers<[1], [0], [0], [1], [0, 0, 1, 1], [], []>, precision = #tpu.contract_precision<fp32>, transpose_lhs_hint = false} : vector<1x576xf32>, vector<576x576xf32>, vector<1x576xf32> -> vector<1x576xf32>
    %iota3A_19 = tpu.iota {dimensions = array<i32: 0>} : vector<432x576xi32>
    %convert_element_type3A_20 = arith.sitofp %iota3A_19 : vector<432x576xi32> to vector<432x576xf32>
    %eq3A = vector.broadcast %dot_general3A_18 : vector<1x576xf32> to vector<432x576xf32>
    %eq3A_21 = arith.cmpf oeq, %eq3A, %convert_element_type3A_20 : vector<432x576xf32>
    %reshape3A_22 = vector.shape_cast %sub3A_12 : vector<576xf32> to vector<1x576xf32>
    %gt3A = arith.constant 5.000000e-01 : f32
    %gt3A_23 = vector.broadcast %gt3A : f32 to vector<1x576xf32>
    %gt3A_24 = arith.cmpf ogt, %reshape3A_22, %gt3A_23 : vector<1x576xf32>
    %and3A = vector.broadcast %gt3A_24 : vector<1x576xi1> to vector<432x576xi1>
    %and3A_25 = arith.andi %eq3A_21, %and3A : vector<432x576xi1>
    %convert_element_type3A_26 = arith.extui %and3A_25 : vector<432x576xi1> to vector<432x576xi32>
    %convert_element_type3A_27 = arith.sitofp %convert_element_type3A_26 : vector<432x576xi32> to vector<432x576xf32>
    %get3A_28 = arith.constant 0 : index
    %get3A_29 = arith.constant 0 : index
    %get3A_30 = vector.load %arg2[%get3A_28, %get3A_29] : memref<576x768xf32, #tpu.memory_space<vmem>>, vector<576x768xf32>
    %dot_general3A_31 = arith.constant dense<0.000000e+00> : vector<432x768xf32>
    %dot_general3A_32 = tpu.matmul %convert_element_type3A_27, %get3A_30, %dot_general3A_31 {dimension_numbers = #tpu.dot_dimension_numbers<[1], [0], [0], [1], [0, 0, 1, 1], [], []>, precision = #tpu.contract_precision<fp32>, transpose_lhs_hint = false} : vector<432x576xf32>, vector<576x768xf32>, vector<432x768xf32> -> vector<432x768xf32>
    %swap3A = arith.constant 0 : index
    %swap3A_33 = arith.constant 0 : index
    %swap3A_34 = arith.constant 0 : index
    %swap3A_35 = vector.load %arg3[%swap3A, %swap3A_33, %swap3A_34] : memref<1x432x768xf32, #tpu.memory_space<vmem>>, vector<1x432x768xf32>
    %swap3A_36 = vector.shape_cast %swap3A_35 : vector<1x432x768xf32> to vector<432x768xf32>
    %swap3A_37 = vector.shape_cast %dot_general3A_32 : vector<432x768xf32> to vector<1x432x768xf32>
    tpu.vector_store %arg3[%swap3A, %swap3A_33, %swap3A_34], %swap3A_37 {strides = array<i32>} : memref<1x432x768xf32, #tpu.memory_space<vmem>>, vector<1x432x768xf32>,
    return
  }
  func.func @transform_0(%arg0: i32) -> (i32, i32, i32) {
    %c0_i32 = arith.constant 0 : i32
    %c0_i32_0 = arith.constant 0 : i32
    %c0_i32_1 = arith.constant 0 : i32
    return %arg0, %c0_i32, %c0_i32_0 : i32, i32, i32
  }
  func.func @transform_1(%arg0: i32) -> (i32, i32) {
    %c0_i32 = arith.constant 0 : i32
    %c0_i32_0 = arith.constant 0 : i32
    %c0_i32_1 = arith.constant 0 : i32
    return %c0_i32, %c0_i32_0 : i32, i32
  }
  func.func @transform_2(%arg0: i32) -> (i32, i32, i32) {
    %c0_i32 = arith.constant 0 : i32
    %c0_i32_0 = arith.constant 0 : i32
    %c0_i32_1 = arith.constant 0 : i32
    return %arg0, %c0_i32, %c0_i32_0 : i32, i32, i32
  }
}

module attributes {stable_mosaic.version = 14 : i64} {
  func.func @_attn_body(%arg0: i32, %arg1: memref<1x432x768xf32, #tpu.memory_space<vmem>>, %arg2: memref<1x432x768xf32, #tpu.memory_space<vmem>>, %arg3: memref<768xf32, #tpu.memory_space<vmem>>, %arg4: memref<768xf32, #tpu.memory_space<vmem>>, %arg5: memref<768x768xf32, #tpu.memory_space<vmem>>, %arg6: memref<768xf32, #tpu.memory_space<vmem>>, %arg7: memref<768x768xf32, #tpu.memory_space<vmem>>, %arg8: memref<768xf32, #tpu.memory_space<vmem>>, %arg9: memref<768x768xf32, #tpu.memory_space<vmem>>, %arg10: memref<768xf32, #tpu.memory_space<vmem>>, %arg11: memref<768x768xf32, #tpu.memory_space<vmem>>, %arg12: memref<768xf32, #tpu.memory_space<vmem>>, %arg13: memref<1x432x768xf32, #tpu.memory_space<vmem>>) attributes {dimension_semantics = [#tpu.dimension_semantics<arbitrary>], iteration_bounds = array<i64: 8>, scalar_prefetch = 0 : i64, scratch_operands = 0 : i64, tpu.core_type = #tpu.core_type<tc>, window_params = [{transform_indices = @transform_0, window_bounds = array<i64: 1, 432, 768>}, {transform_indices = @transform_1, window_bounds = array<i64: 1, 432, 768>}, {pipeline_mode = #tpu.pipeline_mode<synchronous>, transform_indices = @transform_2, window_bounds = array<i64: 768>}, {pipeline_mode = #tpu.pipeline_mode<synchronous>, transform_indices = @transform_3, window_bounds = array<i64: 768>}, {pipeline_mode = #tpu.pipeline_mode<synchronous>, transform_indices = @transform_4, window_bounds = array<i64: 768, 768>}, {pipeline_mode = #tpu.pipeline_mode<synchronous>, transform_indices = @transform_5, window_bounds = array<i64: 768>}, {pipeline_mode = #tpu.pipeline_mode<synchronous>, transform_indices = @transform_6, window_bounds = array<i64: 768, 768>}, {pipeline_mode = #tpu.pipeline_mode<synchronous>, transform_indices = @transform_7, window_bounds = array<i64: 768>}, {pipeline_mode = #tpu.pipeline_mode<synchronous>, transform_indices = @transform_8, window_bounds = array<i64: 768, 768>}, {pipeline_mode = #tpu.pipeline_mode<synchronous>, transform_indices = @transform_9, window_bounds = array<i64: 768>}, {pipeline_mode = #tpu.pipeline_mode<synchronous>, transform_indices = @transform_10, window_bounds = array<i64: 768, 768>}, {pipeline_mode = #tpu.pipeline_mode<synchronous>, transform_indices = @transform_11, window_bounds = array<i64: 768>}, {transform_indices = @transform_12, window_bounds = array<i64: 1, 432, 768>}]} {
    %get3A = arith.constant 0 : index
    %get3A_0 = arith.constant 0 : index
    %get3A_1 = arith.constant 0 : index
    %get3A_2 = vector.load %arg1[%get3A, %get3A_0, %get3A_1] : memref<1x432x768xf32, #tpu.memory_space<vmem>>, vector<1x432x768xf32>
    %get3A_3 = vector.shape_cast %get3A_2 : vector<1x432x768xf32> to vector<432x768xf32>
    %get3A_4 = arith.constant 0 : index
    %get3A_5 = vector.load %arg3[%get3A_4] : memref<768xf32, #tpu.memory_space<vmem>>, vector<768xf32>
    %get3A_6 = arith.constant 0 : index
    %get3A_7 = vector.load %arg4[%get3A_6] : memref<768xf32, #tpu.memory_space<vmem>>, vector<768xf32>
    %reduce_sum3A = arith.constant dense<0.000000e+00> : vector<432xf32>
    %reduce_sum3A_8 = vector.multi_reduction <add>, %get3A_3, %reduce_sum3A [1] : vector<432x768xf32> to vector<432xf32>
    %broadcast_in_dim3A = vector.shape_cast %reduce_sum3A_8 : vector<432xf32> to vector<432x1xf32>
    %div3A = arith.constant 7.680000e+02 : f32
    %div3A_9 = vector.broadcast %div3A : f32 to vector<432x1xf32>
    %div3A_10 = arith.divf %broadcast_in_dim3A, %div3A_9 : vector<432x1xf32>
    %sub3A = vector.broadcast %div3A_10 : vector<432x1xf32> to vector<432x768xf32>
    %sub3A_11 = arith.subf %get3A_3, %sub3A : vector<432x768xf32>
    %integer_pow3A = arith.mulf %sub3A_11, %sub3A_11 : vector<432x768xf32>
    %reduce_sum3A_12 = arith.constant dense<0.000000e+00> : vector<432xf32>
    %reduce_sum3A_13 = vector.multi_reduction <add>, %integer_pow3A, %reduce_sum3A_12 [1] : vector<432x768xf32> to vector<432xf32>
    %broadcast_in_dim3A_14 = vector.shape_cast %reduce_sum3A_13 : vector<432xf32> to vector<432x1xf32>
    %div3A_15 = arith.constant 7.680000e+02 : f32
    %div3A_16 = vector.broadcast %div3A_15 : f32 to vector<432x1xf32>
    %div3A_17 = arith.divf %broadcast_in_dim3A_14, %div3A_16 : vector<432x1xf32>
    %sub3A_18 = vector.broadcast %div3A_10 : vector<432x1xf32> to vector<432x768xf32>
    %sub3A_19 = arith.subf %get3A_3, %sub3A_18 : vector<432x768xf32>
    %add3A = arith.constant 9.99999974E-6 : f32
    %add3A_20 = vector.broadcast %add3A : f32 to vector<432x1xf32>
    %add3A_21 = arith.addf %div3A_17, %add3A_20 : vector<432x1xf32>
    %sqrt3A = math.sqrt %add3A_21 : vector<432x1xf32>
    %div3A_22 = vector.broadcast %sqrt3A : vector<432x1xf32> to vector<432x768xf32>
    %div3A_23 = arith.divf %sub3A_19, %div3A_22 : vector<432x768xf32>
    %broadcast_in_dim3A_24 = vector.shape_cast %get3A_5 : vector<768xf32> to vector<1x768xf32>
    %mul3A = vector.broadcast %broadcast_in_dim3A_24 : vector<1x768xf32> to vector<432x768xf32>
    %mul3A_25 = arith.mulf %div3A_23, %mul3A : vector<432x768xf32>
    %broadcast_in_dim3A_26 = vector.shape_cast %get3A_7 : vector<768xf32> to vector<1x768xf32>
    %add3A_27 = vector.broadcast %broadcast_in_dim3A_26 : vector<1x768xf32> to vector<432x768xf32>
    %add3A_28 = arith.addf %mul3A_25, %add3A_27 : vector<432x768xf32>
    %get3A_29 = arith.constant 0 : index
    %get3A_30 = arith.constant 0 : index
    %get3A_31 = vector.load %arg5[%get3A_29, %get3A_30] : memref<768x768xf32, #tpu.memory_space<vmem>>, vector<768x768xf32>
    %convert_element_type3A = arith.truncf %add3A_28 : vector<432x768xf32> to vector<432x768xbf16>
    %convert_element_type3A_32 = arith.truncf %get3A_31 : vector<768x768xf32> to vector<768x768xbf16>
    %dot_general3A = arith.constant dense<0.000000e+00> : vector<432x768xf32>
    %dot_general3A_33 = tpu.matmul %convert_element_type3A, %convert_element_type3A_32, %dot_general3A {dimension_numbers = #tpu.dot_dimension_numbers<[1], [0], [0], [1], [0, 0, 1, 1], [], []>, transpose_lhs_hint = false} : vector<432x768xbf16>, vector<768x768xbf16>, vector<432x768xf32> -> vector<432x768xf32>
    %get3A_34 = arith.constant 0 : index
    %get3A_35 = vector.load %arg6[%get3A_34] : memref<768xf32, #tpu.memory_space<vmem>>, vector<768xf32>
    %broadcast_in_dim3A_36 = vector.shape_cast %get3A_35 : vector<768xf32> to vector<1x768xf32>
    %add3A_37 = vector.broadcast %broadcast_in_dim3A_36 : vector<1x768xf32> to vector<432x768xf32>
    %add3A_38 = arith.addf %dot_general3A_33, %add3A_37 : vector<432x768xf32>
    %get3A_39 = arith.constant 0 : index
    %get3A_40 = arith.constant 0 : index
    %get3A_41 = vector.load %arg7[%get3A_39, %get3A_40] : memref<768x768xf32, #tpu.memory_space<vmem>>, vector<768x768xf32>
    %convert_element_type3A_42 = arith.truncf %add3A_28 : vector<432x768xf32> to vector<432x768xbf16>
    %convert_element_type3A_43 = arith.truncf %get3A_41 : vector<768x768xf32> to vector<768x768xbf16>
    %dot_general3A_44 = arith.constant dense<0.000000e+00> : vector<432x768xf32>
    %dot_general3A_45 = tpu.matmul %convert_element_type3A_42, %convert_element_type3A_43, %dot_general3A_44 {dimension_numbers = #tpu.dot_dimension_numbers<[1], [0], [0], [1], [0, 0, 1, 1], [], []>, transpose_lhs_hint = false} : vector<432x768xbf16>, vector<768x768xbf16>, vector<432x768xf32> -> vector<432x768xf32>
    %get3A_46 = arith.constant 0 : index
    %get3A_47 = vector.load %arg8[%get3A_46] : memref<768xf32, #tpu.memory_space<vmem>>, vector<768xf32>
    %broadcast_in_dim3A_48 = vector.shape_cast %get3A_47 : vector<768xf32> to vector<1x768xf32>
    %add3A_49 = vector.broadcast %broadcast_in_dim3A_48 : vector<1x768xf32> to vector<432x768xf32>
    %add3A_50 = arith.addf %dot_general3A_45, %add3A_49 : vector<432x768xf32>
    %get3A_51 = arith.constant 0 : index
    %get3A_52 = arith.constant 0 : index
    %get3A_53 = vector.load %arg9[%get3A_51, %get3A_52] : memref<768x768xf32, #tpu.memory_space<vmem>>, vector<768x768xf32>
    %convert_element_type3A_54 = arith.truncf %add3A_28 : vector<432x768xf32> to vector<432x768xbf16>
    %convert_element_type3A_55 = arith.truncf %get3A_53 : vector<768x768xf32> to vector<768x768xbf16>
    %dot_general3A_56 = arith.constant dense<0.000000e+00> : vector<432x768xf32>
    %dot_general3A_57 = tpu.matmul %convert_element_type3A_54, %convert_element_type3A_55, %dot_general3A_56 {dimension_numbers = #tpu.dot_dimension_numbers<[1], [0], [0], [1], [0, 0, 1, 1], [], []>, transpose_lhs_hint = false} : vector<432x768xbf16>, vector<768x768xbf16>, vector<432x768xf32> -> vector<432x768xf32>
    %get3A_58 = arith.constant 0 : index
    %get3A_59 = vector.load %arg10[%get3A_58] : memref<768xf32, #tpu.memory_space<vmem>>, vector<768xf32>
    %broadcast_in_dim3A_60 = vector.shape_cast %get3A_59 : vector<768xf32> to vector<1x768xf32>
    %add3A_61 = vector.broadcast %broadcast_in_dim3A_60 : vector<1x768xf32> to vector<432x768xf32>
    %add3A_62 = arith.addf %dot_general3A_57, %add3A_61 : vector<432x768xf32>
    %slice3A = vector.extract_strided_slice %add3A_38 {offsets = [0, 0], sizes = [432, 64], strides = [1, 1]} : vector<432x768xf32> to vector<432x64xf32>
    %slice3A_63 = vector.extract_strided_slice %add3A_50 {offsets = [0, 0], sizes = [432, 64], strides = [1, 1]} : vector<432x768xf32> to vector<432x64xf32>
    %convert_element_type3A_64 = arith.truncf %slice3A : vector<432x64xf32> to vector<432x64xbf16>
    %convert_element_type3A_65 = arith.truncf %slice3A_63 : vector<432x64xf32> to vector<432x64xbf16>
    %dot_general3A_66 = arith.constant dense<0.000000e+00> : vector<432x432xf32>
    %dot_general3A_67 = tpu.matmul %convert_element_type3A_64, %convert_element_type3A_65, %dot_general3A_66 {dimension_numbers = #tpu.dot_dimension_numbers<[1], [1], [0], [0], [0, 0, 1, 0], [], []>, transpose_lhs_hint = false} : vector<432x64xbf16>, vector<432x64xbf16>, vector<432x432xf32> -> vector<432x432xf32>
    %mul3A_68 = arith.constant 1.250000e-01 : f32
    %mul3A_69 = vector.broadcast %mul3A_68 : f32 to vector<432x432xf32>
    %mul3A_70 = arith.mulf %dot_general3A_67, %mul3A_69 : vector<432x432xf32>
    %reduce_max3A = arith.constant dense<0xFF800000> : vector<432xf32>
    %reduce_max3A_71 = vector.multi_reduction <maximumf>, %mul3A_70, %reduce_max3A [1] : vector<432x432xf32> to vector<432xf32>
    %broadcast_in_dim3A_72 = vector.shape_cast %reduce_max3A_71 : vector<432xf32> to vector<432x1xf32>
    %sub3A_73 = vector.broadcast %broadcast_in_dim3A_72 : vector<432x1xf32> to vector<432x432xf32>
    %sub3A_74 = arith.subf %mul3A_70, %sub3A_73 : vector<432x432xf32>
    %exp3A = math.exp %sub3A_74 : vector<432x432xf32>
    %reduce_sum3A_75 = arith.constant dense<0.000000e+00> : vector<432xf32>
    %reduce_sum3A_76 = vector.multi_reduction <add>, %exp3A, %reduce_sum3A_75 [1] : vector<432x432xf32> to vector<432xf32>
    %broadcast_in_dim3A_77 = vector.shape_cast %reduce_sum3A_76 : vector<432xf32> to vector<432x1xf32>
    %div3A_78 = vector.broadcast %broadcast_in_dim3A_77 : vector<432x1xf32> to vector<432x432xf32>
    %div3A_79 = arith.divf %exp3A, %div3A_78 : vector<432x432xf32>
    %slice3A_80 = vector.extract_strided_slice %add3A_62 {offsets = [0, 0], sizes = [432, 64], strides = [1, 1]} : vector<432x768xf32> to vector<432x64xf32>
    %convert_element_type3A_81 = arith.truncf %div3A_79 : vector<432x432xf32> to vector<432x432xbf16>
    %convert_element_type3A_82 = arith.truncf %slice3A_80 : vector<432x64xf32> to vector<432x64xbf16>
    %dot_general3A_83 = arith.constant dense<0.000000e+00> : vector<432x64xf32>
    %dot_general3A_84 = tpu.matmul %convert_element_type3A_81, %convert_element_type3A_82, %dot_general3A_83 {dimension_numbers = #tpu.dot_dimension_numbers<[1], [0], [0], [1], [0, 0, 1, 1], [], []>, transpose_lhs_hint = false} : vector<432x432xbf16>, vector<432x64xbf16>, vector<432x64xf32> -> vector<432x64xf32>
    %slice3A_85 = vector.extract_strided_slice %add3A_38 {offsets = [0, 64], sizes = [432, 64], strides = [1, 1]} : vector<432x768xf32> to vector<432x64xf32>
    %slice3A_86 = vector.extract_strided_slice %add3A_50 {offsets = [0, 64], sizes = [432, 64], strides = [1, 1]} : vector<432x768xf32> to vector<432x64xf32>
    %convert_element_type3A_87 = arith.truncf %slice3A_85 : vector<432x64xf32> to vector<432x64xbf16>
    %convert_element_type3A_88 = arith.truncf %slice3A_86 : vector<432x64xf32> to vector<432x64xbf16>
    %dot_general3A_89 = arith.constant dense<0.000000e+00> : vector<432x432xf32>
    %dot_general3A_90 = tpu.matmul %convert_element_type3A_87, %convert_element_type3A_88, %dot_general3A_89 {dimension_numbers = #tpu.dot_dimension_numbers<[1], [1], [0], [0], [0, 0, 1, 0], [], []>, transpose_lhs_hint = false} : vector<432x64xbf16>, vector<432x64xbf16>, vector<432x432xf32> -> vector<432x432xf32>
    %mul3A_91 = arith.constant 1.250000e-01 : f32
    %mul3A_92 = vector.broadcast %mul3A_91 : f32 to vector<432x432xf32>
    %mul3A_93 = arith.mulf %dot_general3A_90, %mul3A_92 : vector<432x432xf32>
    %reduce_max3A_94 = arith.constant dense<0xFF800000> : vector<432xf32>
    %reduce_max3A_95 = vector.multi_reduction <maximumf>, %mul3A_93, %reduce_max3A_94 [1] : vector<432x432xf32> to vector<432xf32>
    %broadcast_in_dim3A_96 = vector.shape_cast %reduce_max3A_95 : vector<432xf32> to vector<432x1xf32>
    %sub3A_97 = vector.broadcast %broadcast_in_dim3A_96 : vector<432x1xf32> to vector<432x432xf32>
    %sub3A_98 = arith.subf %mul3A_93, %sub3A_97 : vector<432x432xf32>
    %exp3A_99 = math.exp %sub3A_98 : vector<432x432xf32>
    %reduce_sum3A_100 = arith.constant dense<0.000000e+00> : vector<432xf32>
    %reduce_sum3A_101 = vector.multi_reduction <add>, %exp3A_99, %reduce_sum3A_100 [1] : vector<432x432xf32> to vector<432xf32>
    %broadcast_in_dim3A_102 = vector.shape_cast %reduce_sum3A_101 : vector<432xf32> to vector<432x1xf32>
    %div3A_103 = vector.broadcast %broadcast_in_dim3A_102 : vector<432x1xf32> to vector<432x432xf32>
    %div3A_104 = arith.divf %exp3A_99, %div3A_103 : vector<432x432xf32>
    %slice3A_105 = vector.extract_strided_slice %add3A_62 {offsets = [0, 64], sizes = [432, 64], strides = [1, 1]} : vector<432x768xf32> to vector<432x64xf32>
    %convert_element_type3A_106 = arith.truncf %div3A_104 : vector<432x432xf32> to vector<432x432xbf16>
    %convert_element_type3A_107 = arith.truncf %slice3A_105 : vector<432x64xf32> to vector<432x64xbf16>
    %dot_general3A_108 = arith.constant dense<0.000000e+00> : vector<432x64xf32>
    %dot_general3A_109 = tpu.matmul %convert_element_type3A_106, %convert_element_type3A_107, %dot_general3A_108 {dimension_numbers = #tpu.dot_dimension_numbers<[1], [0], [0], [1], [0, 0, 1, 1], [], []>, transpose_lhs_hint = false} : vector<432x432xbf16>, vector<432x64xbf16>, vector<432x64xf32> -> vector<432x64xf32>
    %slice3A_110 = vector.extract_strided_slice %add3A_38 {offsets = [0, 128], sizes = [432, 64], strides = [1, 1]} : vector<432x768xf32> to vector<432x64xf32>
    %slice3A_111 = vector.extract_strided_slice %add3A_50 {offsets = [0, 128], sizes = [432, 64], strides = [1, 1]} : vector<432x768xf32> to vector<432x64xf32>
    %convert_element_type3A_112 = arith.truncf %slice3A_110 : vector<432x64xf32> to vector<432x64xbf16>
    %convert_element_type3A_113 = arith.truncf %slice3A_111 : vector<432x64xf32> to vector<432x64xbf16>
    %dot_general3A_114 = arith.constant dense<0.000000e+00> : vector<432x432xf32>
    %dot_general3A_115 = tpu.matmul %convert_element_type3A_112, %convert_element_type3A_113, %dot_general3A_114 {dimension_numbers = #tpu.dot_dimension_numbers<[1], [1], [0], [0], [0, 0, 1, 0], [], []>, transpose_lhs_hint = false} : vector<432x64xbf16>, vector<432x64xbf16>, vector<432x432xf32> -> vector<432x432xf32>
    %mul3A_116 = arith.constant 1.250000e-01 : f32
    %mul3A_117 = vector.broadcast %mul3A_116 : f32 to vector<432x432xf32>
    %mul3A_118 = arith.mulf %dot_general3A_115, %mul3A_117 : vector<432x432xf32>
    %reduce_max3A_119 = arith.constant dense<0xFF800000> : vector<432xf32>
    %reduce_max3A_120 = vector.multi_reduction <maximumf>, %mul3A_118, %reduce_max3A_119 [1] : vector<432x432xf32> to vector<432xf32>
    %broadcast_in_dim3A_121 = vector.shape_cast %reduce_max3A_120 : vector<432xf32> to vector<432x1xf32>
    %sub3A_122 = vector.broadcast %broadcast_in_dim3A_121 : vector<432x1xf32> to vector<432x432xf32>
    %sub3A_123 = arith.subf %mul3A_118, %sub3A_122 : vector<432x432xf32>
    %exp3A_124 = math.exp %sub3A_123 : vector<432x432xf32>
    %reduce_sum3A_125 = arith.constant dense<0.000000e+00> : vector<432xf32>
    %reduce_sum3A_126 = vector.multi_reduction <add>, %exp3A_124, %reduce_sum3A_125 [1] : vector<432x432xf32> to vector<432xf32>
    %broadcast_in_dim3A_127 = vector.shape_cast %reduce_sum3A_126 : vector<432xf32> to vector<432x1xf32>
    %div3A_128 = vector.broadcast %broadcast_in_dim3A_127 : vector<432x1xf32> to vector<432x432xf32>
    %div3A_129 = arith.divf %exp3A_124, %div3A_128 : vector<432x432xf32>
    %slice3A_130 = vector.extract_strided_slice %add3A_62 {offsets = [0, 128], sizes = [432, 64], strides = [1, 1]} : vector<432x768xf32> to vector<432x64xf32>
    %convert_element_type3A_131 = arith.truncf %div3A_129 : vector<432x432xf32> to vector<432x432xbf16>
    %convert_element_type3A_132 = arith.truncf %slice3A_130 : vector<432x64xf32> to vector<432x64xbf16>
    %dot_general3A_133 = arith.constant dense<0.000000e+00> : vector<432x64xf32>
    %dot_general3A_134 = tpu.matmul %convert_element_type3A_131, %convert_element_type3A_132, %dot_general3A_133 {dimension_numbers = #tpu.dot_dimension_numbers<[1], [0], [0], [1], [0, 0, 1, 1], [], []>, transpose_lhs_hint = false} : vector<432x432xbf16>, vector<432x64xbf16>, vector<432x64xf32> -> vector<432x64xf32>
    %slice3A_135 = vector.extract_strided_slice %add3A_38 {offsets = [0, 192], sizes = [432, 64], strides = [1, 1]} : vector<432x768xf32> to vector<432x64xf32>
    %slice3A_136 = vector.extract_strided_slice %add3A_50 {offsets = [0, 192], sizes = [432, 64], strides = [1, 1]} : vector<432x768xf32> to vector<432x64xf32>
    %convert_element_type3A_137 = arith.truncf %slice3A_135 : vector<432x64xf32> to vector<432x64xbf16>
    %convert_element_type3A_138 = arith.truncf %slice3A_136 : vector<432x64xf32> to vector<432x64xbf16>
    %dot_general3A_139 = arith.constant dense<0.000000e+00> : vector<432x432xf32>
    %dot_general3A_140 = tpu.matmul %convert_element_type3A_137, %convert_element_type3A_138, %dot_general3A_139 {dimension_numbers = #tpu.dot_dimension_numbers<[1], [1], [0], [0], [0, 0, 1, 0], [], []>, transpose_lhs_hint = false} : vector<432x64xbf16>, vector<432x64xbf16>, vector<432x432xf32> -> vector<432x432xf32>
    %mul3A_141 = arith.constant 1.250000e-01 : f32
    %mul3A_142 = vector.broadcast %mul3A_141 : f32 to vector<432x432xf32>
    %mul3A_143 = arith.mulf %dot_general3A_140, %mul3A_142 : vector<432x432xf32>
    %reduce_max3A_144 = arith.constant dense<0xFF800000> : vector<432xf32>
    %reduce_max3A_145 = vector.multi_reduction <maximumf>, %mul3A_143, %reduce_max3A_144 [1] : vector<432x432xf32> to vector<432xf32>
    %broadcast_in_dim3A_146 = vector.shape_cast %reduce_max3A_145 : vector<432xf32> to vector<432x1xf32>
    %sub3A_147 = vector.broadcast %broadcast_in_dim3A_146 : vector<432x1xf32> to vector<432x432xf32>
    %sub3A_148 = arith.subf %mul3A_143, %sub3A_147 : vector<432x432xf32>
    %exp3A_149 = math.exp %sub3A_148 : vector<432x432xf32>
    %reduce_sum3A_150 = arith.constant dense<0.000000e+00> : vector<432xf32>
    %reduce_sum3A_151 = vector.multi_reduction <add>, %exp3A_149, %reduce_sum3A_150 [1] : vector<432x432xf32> to vector<432xf32>
    %broadcast_in_dim3A_152 = vector.shape_cast %reduce_sum3A_151 : vector<432xf32> to vector<432x1xf32>
    %div3A_153 = vector.broadcast %broadcast_in_dim3A_152 : vector<432x1xf32> to vector<432x432xf32>
    %div3A_154 = arith.divf %exp3A_149, %div3A_153 : vector<432x432xf32>
    %slice3A_155 = vector.extract_strided_slice %add3A_62 {offsets = [0, 192], sizes = [432, 64], strides = [1, 1]} : vector<432x768xf32> to vector<432x64xf32>
    %convert_element_type3A_156 = arith.truncf %div3A_154 : vector<432x432xf32> to vector<432x432xbf16>
    %convert_element_type3A_157 = arith.truncf %slice3A_155 : vector<432x64xf32> to vector<432x64xbf16>
    %dot_general3A_158 = arith.constant dense<0.000000e+00> : vector<432x64xf32>
    %dot_general3A_159 = tpu.matmul %convert_element_type3A_156, %convert_element_type3A_157, %dot_general3A_158 {dimension_numbers = #tpu.dot_dimension_numbers<[1], [0], [0], [1], [0, 0, 1, 1], [], []>, transpose_lhs_hint = false} : vector<432x432xbf16>, vector<432x64xbf16>, vector<432x64xf32> -> vector<432x64xf32>
    %slice3A_160 = vector.extract_strided_slice %add3A_38 {offsets = [0, 256], sizes = [432, 64], strides = [1, 1]} : vector<432x768xf32> to vector<432x64xf32>
    %slice3A_161 = vector.extract_strided_slice %add3A_50 {offsets = [0, 256], sizes = [432, 64], strides = [1, 1]} : vector<432x768xf32> to vector<432x64xf32>
    %convert_element_type3A_162 = arith.truncf %slice3A_160 : vector<432x64xf32> to vector<432x64xbf16>
    %convert_element_type3A_163 = arith.truncf %slice3A_161 : vector<432x64xf32> to vector<432x64xbf16>
    %dot_general3A_164 = arith.constant dense<0.000000e+00> : vector<432x432xf32>
    %dot_general3A_165 = tpu.matmul %convert_element_type3A_162, %convert_element_type3A_163, %dot_general3A_164 {dimension_numbers = #tpu.dot_dimension_numbers<[1], [1], [0], [0], [0, 0, 1, 0], [], []>, transpose_lhs_hint = false} : vector<432x64xbf16>, vector<432x64xbf16>, vector<432x432xf32> -> vector<432x432xf32>
    %mul3A_166 = arith.constant 1.250000e-01 : f32
    %mul3A_167 = vector.broadcast %mul3A_166 : f32 to vector<432x432xf32>
    %mul3A_168 = arith.mulf %dot_general3A_165, %mul3A_167 : vector<432x432xf32>
    %reduce_max3A_169 = arith.constant dense<0xFF800000> : vector<432xf32>
    %reduce_max3A_170 = vector.multi_reduction <maximumf>, %mul3A_168, %reduce_max3A_169 [1] : vector<432x432xf32> to vector<432xf32>
    %broadcast_in_dim3A_171 = vector.shape_cast %reduce_max3A_170 : vector<432xf32> to vector<432x1xf32>
    %sub3A_172 = vector.broadcast %broadcast_in_dim3A_171 : vector<432x1xf32> to vector<432x432xf32>
    %sub3A_173 = arith.subf %mul3A_168, %sub3A_172 : vector<432x432xf32>
    %exp3A_174 = math.exp %sub3A_173 : vector<432x432xf32>
    %reduce_sum3A_175 = arith.constant dense<0.000000e+00> : vector<432xf32>
    %reduce_sum3A_176 = vector.multi_reduction <add>, %exp3A_174, %reduce_sum3A_175 [1] : vector<432x432xf32> to vector<432xf32>
    %broadcast_in_dim3A_177 = vector.shape_cast %reduce_sum3A_176 : vector<432xf32> to vector<432x1xf32>
    %div3A_178 = vector.broadcast %broadcast_in_dim3A_177 : vector<432x1xf32> to vector<432x432xf32>
    %div3A_179 = arith.divf %exp3A_174, %div3A_178 : vector<432x432xf32>
    %slice3A_180 = vector.extract_strided_slice %add3A_62 {offsets = [0, 256], sizes = [432, 64], strides = [1, 1]} : vector<432x768xf32> to vector<432x64xf32>
    %convert_element_type3A_181 = arith.truncf %div3A_179 : vector<432x432xf32> to vector<432x432xbf16>
    %convert_element_type3A_182 = arith.truncf %slice3A_180 : vector<432x64xf32> to vector<432x64xbf16>
    %dot_general3A_183 = arith.constant dense<0.000000e+00> : vector<432x64xf32>
    %dot_general3A_184 = tpu.matmul %convert_element_type3A_181, %convert_element_type3A_182, %dot_general3A_183 {dimension_numbers = #tpu.dot_dimension_numbers<[1], [0], [0], [1], [0, 0, 1, 1], [], []>, transpose_lhs_hint = false} : vector<432x432xbf16>, vector<432x64xbf16>, vector<432x64xf32> -> vector<432x64xf32>
    %slice3A_185 = vector.extract_strided_slice %add3A_38 {offsets = [0, 320], sizes = [432, 64], strides = [1, 1]} : vector<432x768xf32> to vector<432x64xf32>
    %slice3A_186 = vector.extract_strided_slice %add3A_50 {offsets = [0, 320], sizes = [432, 64], strides = [1, 1]} : vector<432x768xf32> to vector<432x64xf32>
    %convert_element_type3A_187 = arith.truncf %slice3A_185 : vector<432x64xf32> to vector<432x64xbf16>
    %convert_element_type3A_188 = arith.truncf %slice3A_186 : vector<432x64xf32> to vector<432x64xbf16>
    %dot_general3A_189 = arith.constant dense<0.000000e+00> : vector<432x432xf32>
    %dot_general3A_190 = tpu.matmul %convert_element_type3A_187, %convert_element_type3A_188, %dot_general3A_189 {dimension_numbers = #tpu.dot_dimension_numbers<[1], [1], [0], [0], [0, 0, 1, 0], [], []>, transpose_lhs_hint = false} : vector<432x64xbf16>, vector<432x64xbf16>, vector<432x432xf32> -> vector<432x432xf32>
    %mul3A_191 = arith.constant 1.250000e-01 : f32
    %mul3A_192 = vector.broadcast %mul3A_191 : f32 to vector<432x432xf32>
    %mul3A_193 = arith.mulf %dot_general3A_190, %mul3A_192 : vector<432x432xf32>
    %reduce_max3A_194 = arith.constant dense<0xFF800000> : vector<432xf32>
    %reduce_max3A_195 = vector.multi_reduction <maximumf>, %mul3A_193, %reduce_max3A_194 [1] : vector<432x432xf32> to vector<432xf32>
    %broadcast_in_dim3A_196 = vector.shape_cast %reduce_max3A_195 : vector<432xf32> to vector<432x1xf32>
    %sub3A_197 = vector.broadcast %broadcast_in_dim3A_196 : vector<432x1xf32> to vector<432x432xf32>
    %sub3A_198 = arith.subf %mul3A_193, %sub3A_197 : vector<432x432xf32>
    %exp3A_199 = math.exp %sub3A_198 : vector<432x432xf32>
    %reduce_sum3A_200 = arith.constant dense<0.000000e+00> : vector<432xf32>
    %reduce_sum3A_201 = vector.multi_reduction <add>, %exp3A_199, %reduce_sum3A_200 [1] : vector<432x432xf32> to vector<432xf32>
    %broadcast_in_dim3A_202 = vector.shape_cast %reduce_sum3A_201 : vector<432xf32> to vector<432x1xf32>
    %div3A_203 = vector.broadcast %broadcast_in_dim3A_202 : vector<432x1xf32> to vector<432x432xf32>
    %div3A_204 = arith.divf %exp3A_199, %div3A_203 : vector<432x432xf32>
    %slice3A_205 = vector.extract_strided_slice %add3A_62 {offsets = [0, 320], sizes = [432, 64], strides = [1, 1]} : vector<432x768xf32> to vector<432x64xf32>
    %convert_element_type3A_206 = arith.truncf %div3A_204 : vector<432x432xf32> to vector<432x432xbf16>
    %convert_element_type3A_207 = arith.truncf %slice3A_205 : vector<432x64xf32> to vector<432x64xbf16>
    %dot_general3A_208 = arith.constant dense<0.000000e+00> : vector<432x64xf32>
    %dot_general3A_209 = tpu.matmul %convert_element_type3A_206, %convert_element_type3A_207, %dot_general3A_208 {dimension_numbers = #tpu.dot_dimension_numbers<[1], [0], [0], [1], [0, 0, 1, 1], [], []>, transpose_lhs_hint = false} : vector<432x432xbf16>, vector<432x64xbf16>, vector<432x64xf32> -> vector<432x64xf32>
    %slice3A_210 = vector.extract_strided_slice %add3A_38 {offsets = [0, 384], sizes = [432, 64], strides = [1, 1]} : vector<432x768xf32> to vector<432x64xf32>
    %slice3A_211 = vector.extract_strided_slice %add3A_50 {offsets = [0, 384], sizes = [432, 64], strides = [1, 1]} : vector<432x768xf32> to vector<432x64xf32>
    %convert_element_type3A_212 = arith.truncf %slice3A_210 : vector<432x64xf32> to vector<432x64xbf16>
    %convert_element_type3A_213 = arith.truncf %slice3A_211 : vector<432x64xf32> to vector<432x64xbf16>
    %dot_general3A_214 = arith.constant dense<0.000000e+00> : vector<432x432xf32>
    %dot_general3A_215 = tpu.matmul %convert_element_type3A_212, %convert_element_type3A_213, %dot_general3A_214 {dimension_numbers = #tpu.dot_dimension_numbers<[1], [1], [0], [0], [0, 0, 1, 0], [], []>, transpose_lhs_hint = false} : vector<432x64xbf16>, vector<432x64xbf16>, vector<432x432xf32> -> vector<432x432xf32>
    %mul3A_216 = arith.constant 1.250000e-01 : f32
    %mul3A_217 = vector.broadcast %mul3A_216 : f32 to vector<432x432xf32>
    %mul3A_218 = arith.mulf %dot_general3A_215, %mul3A_217 : vector<432x432xf32>
    %reduce_max3A_219 = arith.constant dense<0xFF800000> : vector<432xf32>
    %reduce_max3A_220 = vector.multi_reduction <maximumf>, %mul3A_218, %reduce_max3A_219 [1] : vector<432x432xf32> to vector<432xf32>
    %broadcast_in_dim3A_221 = vector.shape_cast %reduce_max3A_220 : vector<432xf32> to vector<432x1xf32>
    %sub3A_222 = vector.broadcast %broadcast_in_dim3A_221 : vector<432x1xf32> to vector<432x432xf32>
    %sub3A_223 = arith.subf %mul3A_218, %sub3A_222 : vector<432x432xf32>
    %exp3A_224 = math.exp %sub3A_223 : vector<432x432xf32>
    %reduce_sum3A_225 = arith.constant dense<0.000000e+00> : vector<432xf32>
    %reduce_sum3A_226 = vector.multi_reduction <add>, %exp3A_224, %reduce_sum3A_225 [1] : vector<432x432xf32> to vector<432xf32>
    %broadcast_in_dim3A_227 = vector.shape_cast %reduce_sum3A_226 : vector<432xf32> to vector<432x1xf32>
    %div3A_228 = vector.broadcast %broadcast_in_dim3A_227 : vector<432x1xf32> to vector<432x432xf32>
    %div3A_229 = arith.divf %exp3A_224, %div3A_228 : vector<432x432xf32>
    %slice3A_230 = vector.extract_strided_slice %add3A_62 {offsets = [0, 384], sizes = [432, 64], strides = [1, 1]} : vector<432x768xf32> to vector<432x64xf32>
    %convert_element_type3A_231 = arith.truncf %div3A_229 : vector<432x432xf32> to vector<432x432xbf16>
    %convert_element_type3A_232 = arith.truncf %slice3A_230 : vector<432x64xf32> to vector<432x64xbf16>
    %dot_general3A_233 = arith.constant dense<0.000000e+00> : vector<432x64xf32>
    %dot_general3A_234 = tpu.matmul %convert_element_type3A_231, %convert_element_type3A_232, %dot_general3A_233 {dimension_numbers = #tpu.dot_dimension_numbers<[1], [0], [0], [1], [0, 0, 1, 1], [], []>, transpose_lhs_hint = false} : vector<432x432xbf16>, vector<432x64xbf16>, vector<432x64xf32> -> vector<432x64xf32>
    %slice3A_235 = vector.extract_strided_slice %add3A_38 {offsets = [0, 448], sizes = [432, 64], strides = [1, 1]} : vector<432x768xf32> to vector<432x64xf32>
    %slice3A_236 = vector.extract_strided_slice %add3A_50 {offsets = [0, 448], sizes = [432, 64], strides = [1, 1]} : vector<432x768xf32> to vector<432x64xf32>
    %convert_element_type3A_237 = arith.truncf %slice3A_235 : vector<432x64xf32> to vector<432x64xbf16>
    %convert_element_type3A_238 = arith.truncf %slice3A_236 : vector<432x64xf32> to vector<432x64xbf16>
    %dot_general3A_239 = arith.constant dense<0.000000e+00> : vector<432x432xf32>
    %dot_general3A_240 = tpu.matmul %convert_element_type3A_237, %convert_element_type3A_238, %dot_general3A_239 {dimension_numbers = #tpu.dot_dimension_numbers<[1], [1], [0], [0], [0, 0, 1, 0], [], []>, transpose_lhs_hint = false} : vector<432x64xbf16>, vector<432x64xbf16>, vector<432x432xf32> -> vector<432x432xf32>
    %mul3A_241 = arith.constant 1.250000e-01 : f32
    %mul3A_242 = vector.broadcast %mul3A_241 : f32 to vector<432x432xf32>
    %mul3A_243 = arith.mulf %dot_general3A_240, %mul3A_242 : vector<432x432xf32>
    %reduce_max3A_244 = arith.constant dense<0xFF800000> : vector<432xf32>
    %reduce_max3A_245 = vector.multi_reduction <maximumf>, %mul3A_243, %reduce_max3A_244 [1] : vector<432x432xf32> to vector<432xf32>
    %broadcast_in_dim3A_246 = vector.shape_cast %reduce_max3A_245 : vector<432xf32> to vector<432x1xf32>
    %sub3A_247 = vector.broadcast %broadcast_in_dim3A_246 : vector<432x1xf32> to vector<432x432xf32>
    %sub3A_248 = arith.subf %mul3A_243, %sub3A_247 : vector<432x432xf32>
    %exp3A_249 = math.exp %sub3A_248 : vector<432x432xf32>
    %reduce_sum3A_250 = arith.constant dense<0.000000e+00> : vector<432xf32>
    %reduce_sum3A_251 = vector.multi_reduction <add>, %exp3A_249, %reduce_sum3A_250 [1] : vector<432x432xf32> to vector<432xf32>
    %broadcast_in_dim3A_252 = vector.shape_cast %reduce_sum3A_251 : vector<432xf32> to vector<432x1xf32>
    %div3A_253 = vector.broadcast %broadcast_in_dim3A_252 : vector<432x1xf32> to vector<432x432xf32>
    %div3A_254 = arith.divf %exp3A_249, %div3A_253 : vector<432x432xf32>
    %slice3A_255 = vector.extract_strided_slice %add3A_62 {offsets = [0, 448], sizes = [432, 64], strides = [1, 1]} : vector<432x768xf32> to vector<432x64xf32>
    %convert_element_type3A_256 = arith.truncf %div3A_254 : vector<432x432xf32> to vector<432x432xbf16>
    %convert_element_type3A_257 = arith.truncf %slice3A_255 : vector<432x64xf32> to vector<432x64xbf16>
    %dot_general3A_258 = arith.constant dense<0.000000e+00> : vector<432x64xf32>
    %dot_general3A_259 = tpu.matmul %convert_element_type3A_256, %convert_element_type3A_257, %dot_general3A_258 {dimension_numbers = #tpu.dot_dimension_numbers<[1], [0], [0], [1], [0, 0, 1, 1], [], []>, transpose_lhs_hint = false} : vector<432x432xbf16>, vector<432x64xbf16>, vector<432x64xf32> -> vector<432x64xf32>
    %slice3A_260 = vector.extract_strided_slice %add3A_38 {offsets = [0, 512], sizes = [432, 64], strides = [1, 1]} : vector<432x768xf32> to vector<432x64xf32>
    %slice3A_261 = vector.extract_strided_slice %add3A_50 {offsets = [0, 512], sizes = [432, 64], strides = [1, 1]} : vector<432x768xf32> to vector<432x64xf32>
    %convert_element_type3A_262 = arith.truncf %slice3A_260 : vector<432x64xf32> to vector<432x64xbf16>
    %convert_element_type3A_263 = arith.truncf %slice3A_261 : vector<432x64xf32> to vector<432x64xbf16>
    %dot_general3A_264 = arith.constant dense<0.000000e+00> : vector<432x432xf32>
    %dot_general3A_265 = tpu.matmul %convert_element_type3A_262, %convert_element_type3A_263, %dot_general3A_264 {dimension_numbers = #tpu.dot_dimension_numbers<[1], [1], [0], [0], [0, 0, 1, 0], [], []>, transpose_lhs_hint = false} : vector<432x64xbf16>, vector<432x64xbf16>, vector<432x432xf32> -> vector<432x432xf32>
    %mul3A_266 = arith.constant 1.250000e-01 : f32
    %mul3A_267 = vector.broadcast %mul3A_266 : f32 to vector<432x432xf32>
    %mul3A_268 = arith.mulf %dot_general3A_265, %mul3A_267 : vector<432x432xf32>
    %reduce_max3A_269 = arith.constant dense<0xFF800000> : vector<432xf32>
    %reduce_max3A_270 = vector.multi_reduction <maximumf>, %mul3A_268, %reduce_max3A_269 [1] : vector<432x432xf32> to vector<432xf32>
    %broadcast_in_dim3A_271 = vector.shape_cast %reduce_max3A_270 : vector<432xf32> to vector<432x1xf32>
    %sub3A_272 = vector.broadcast %broadcast_in_dim3A_271 : vector<432x1xf32> to vector<432x432xf32>
    %sub3A_273 = arith.subf %mul3A_268, %sub3A_272 : vector<432x432xf32>
    %exp3A_274 = math.exp %sub3A_273 : vector<432x432xf32>
    %reduce_sum3A_275 = arith.constant dense<0.000000e+00> : vector<432xf32>
    %reduce_sum3A_276 = vector.multi_reduction <add>, %exp3A_274, %reduce_sum3A_275 [1] : vector<432x432xf32> to vector<432xf32>
    %broadcast_in_dim3A_277 = vector.shape_cast %reduce_sum3A_276 : vector<432xf32> to vector<432x1xf32>
    %div3A_278 = vector.broadcast %broadcast_in_dim3A_277 : vector<432x1xf32> to vector<432x432xf32>
    %div3A_279 = arith.divf %exp3A_274, %div3A_278 : vector<432x432xf32>
    %slice3A_280 = vector.extract_strided_slice %add3A_62 {offsets = [0, 512], sizes = [432, 64], strides = [1, 1]} : vector<432x768xf32> to vector<432x64xf32>
    %convert_element_type3A_281 = arith.truncf %div3A_279 : vector<432x432xf32> to vector<432x432xbf16>
    %convert_element_type3A_282 = arith.truncf %slice3A_280 : vector<432x64xf32> to vector<432x64xbf16>
    %dot_general3A_283 = arith.constant dense<0.000000e+00> : vector<432x64xf32>
    %dot_general3A_284 = tpu.matmul %convert_element_type3A_281, %convert_element_type3A_282, %dot_general3A_283 {dimension_numbers = #tpu.dot_dimension_numbers<[1], [0], [0], [1], [0, 0, 1, 1], [], []>, transpose_lhs_hint = false} : vector<432x432xbf16>, vector<432x64xbf16>, vector<432x64xf32> -> vector<432x64xf32>
    %slice3A_285 = vector.extract_strided_slice %add3A_38 {offsets = [0, 576], sizes = [432, 64], strides = [1, 1]} : vector<432x768xf32> to vector<432x64xf32>
    %slice3A_286 = vector.extract_strided_slice %add3A_50 {offsets = [0, 576], sizes = [432, 64], strides = [1, 1]} : vector<432x768xf32> to vector<432x64xf32>
    %convert_element_type3A_287 = arith.truncf %slice3A_285 : vector<432x64xf32> to vector<432x64xbf16>
    %convert_element_type3A_288 = arith.truncf %slice3A_286 : vector<432x64xf32> to vector<432x64xbf16>
    %dot_general3A_289 = arith.constant dense<0.000000e+00> : vector<432x432xf32>
    %dot_general3A_290 = tpu.matmul %convert_element_type3A_287, %convert_element_type3A_288, %dot_general3A_289 {dimension_numbers = #tpu.dot_dimension_numbers<[1], [1], [0], [0], [0, 0, 1, 0], [], []>, transpose_lhs_hint = false} : vector<432x64xbf16>, vector<432x64xbf16>, vector<432x432xf32> -> vector<432x432xf32>
    %mul3A_291 = arith.constant 1.250000e-01 : f32
    %mul3A_292 = vector.broadcast %mul3A_291 : f32 to vector<432x432xf32>
    %mul3A_293 = arith.mulf %dot_general3A_290, %mul3A_292 : vector<432x432xf32>
    %reduce_max3A_294 = arith.constant dense<0xFF800000> : vector<432xf32>
    %reduce_max3A_295 = vector.multi_reduction <maximumf>, %mul3A_293, %reduce_max3A_294 [1] : vector<432x432xf32> to vector<432xf32>
    %broadcast_in_dim3A_296 = vector.shape_cast %reduce_max3A_295 : vector<432xf32> to vector<432x1xf32>
    %sub3A_297 = vector.broadcast %broadcast_in_dim3A_296 : vector<432x1xf32> to vector<432x432xf32>
    %sub3A_298 = arith.subf %mul3A_293, %sub3A_297 : vector<432x432xf32>
    %exp3A_299 = math.exp %sub3A_298 : vector<432x432xf32>
    %reduce_sum3A_300 = arith.constant dense<0.000000e+00> : vector<432xf32>
    %reduce_sum3A_301 = vector.multi_reduction <add>, %exp3A_299, %reduce_sum3A_300 [1] : vector<432x432xf32> to vector<432xf32>
    %broadcast_in_dim3A_302 = vector.shape_cast %reduce_sum3A_301 : vector<432xf32> to vector<432x1xf32>
    %div3A_303 = vector.broadcast %broadcast_in_dim3A_302 : vector<432x1xf32> to vector<432x432xf32>
    %div3A_304 = arith.divf %exp3A_299, %div3A_303 : vector<432x432xf32>
    %slice3A_305 = vector.extract_strided_slice %add3A_62 {offsets = [0, 576], sizes = [432, 64], strides = [1, 1]} : vector<432x768xf32> to vector<432x64xf32>
    %convert_element_type3A_306 = arith.truncf %div3A_304 : vector<432x432xf32> to vector<432x432xbf16>
    %convert_element_type3A_307 = arith.truncf %slice3A_305 : vector<432x64xf32> to vector<432x64xbf16>
    %dot_general3A_308 = arith.constant dense<0.000000e+00> : vector<432x64xf32>
    %dot_general3A_309 = tpu.matmul %convert_element_type3A_306, %convert_element_type3A_307, %dot_general3A_308 {dimension_numbers = #tpu.dot_dimension_numbers<[1], [0], [0], [1], [0, 0, 1, 1], [], []>, transpose_lhs_hint = false} : vector<432x432xbf16>, vector<432x64xbf16>, vector<432x64xf32> -> vector<432x64xf32>
    %slice3A_310 = vector.extract_strided_slice %add3A_38 {offsets = [0, 640], sizes = [432, 64], strides = [1, 1]} : vector<432x768xf32> to vector<432x64xf32>
    %slice3A_311 = vector.extract_strided_slice %add3A_50 {offsets = [0, 640], sizes = [432, 64], strides = [1, 1]} : vector<432x768xf32> to vector<432x64xf32>
    %convert_element_type3A_312 = arith.truncf %slice3A_310 : vector<432x64xf32> to vector<432x64xbf16>
    %convert_element_type3A_313 = arith.truncf %slice3A_311 : vector<432x64xf32> to vector<432x64xbf16>
    %dot_general3A_314 = arith.constant dense<0.000000e+00> : vector<432x432xf32>
    %dot_general3A_315 = tpu.matmul %convert_element_type3A_312, %convert_element_type3A_313, %dot_general3A_314 {dimension_numbers = #tpu.dot_dimension_numbers<[1], [1], [0], [0], [0, 0, 1, 0], [], []>, transpose_lhs_hint = false} : vector<432x64xbf16>, vector<432x64xbf16>, vector<432x432xf32> -> vector<432x432xf32>
    %mul3A_316 = arith.constant 1.250000e-01 : f32
    %mul3A_317 = vector.broadcast %mul3A_316 : f32 to vector<432x432xf32>
    %mul3A_318 = arith.mulf %dot_general3A_315, %mul3A_317 : vector<432x432xf32>
    %reduce_max3A_319 = arith.constant dense<0xFF800000> : vector<432xf32>
    %reduce_max3A_320 = vector.multi_reduction <maximumf>, %mul3A_318, %reduce_max3A_319 [1] : vector<432x432xf32> to vector<432xf32>
    %broadcast_in_dim3A_321 = vector.shape_cast %reduce_max3A_320 : vector<432xf32> to vector<432x1xf32>
    %sub3A_322 = vector.broadcast %broadcast_in_dim3A_321 : vector<432x1xf32> to vector<432x432xf32>
    %sub3A_323 = arith.subf %mul3A_318, %sub3A_322 : vector<432x432xf32>
    %exp3A_324 = math.exp %sub3A_323 : vector<432x432xf32>
    %reduce_sum3A_325 = arith.constant dense<0.000000e+00> : vector<432xf32>
    %reduce_sum3A_326 = vector.multi_reduction <add>, %exp3A_324, %reduce_sum3A_325 [1] : vector<432x432xf32> to vector<432xf32>
    %broadcast_in_dim3A_327 = vector.shape_cast %reduce_sum3A_326 : vector<432xf32> to vector<432x1xf32>
    %div3A_328 = vector.broadcast %broadcast_in_dim3A_327 : vector<432x1xf32> to vector<432x432xf32>
    %div3A_329 = arith.divf %exp3A_324, %div3A_328 : vector<432x432xf32>
    %slice3A_330 = vector.extract_strided_slice %add3A_62 {offsets = [0, 640], sizes = [432, 64], strides = [1, 1]} : vector<432x768xf32> to vector<432x64xf32>
    %convert_element_type3A_331 = arith.truncf %div3A_329 : vector<432x432xf32> to vector<432x432xbf16>
    %convert_element_type3A_332 = arith.truncf %slice3A_330 : vector<432x64xf32> to vector<432x64xbf16>
    %dot_general3A_333 = arith.constant dense<0.000000e+00> : vector<432x64xf32>
    %dot_general3A_334 = tpu.matmul %convert_element_type3A_331, %convert_element_type3A_332, %dot_general3A_333 {dimension_numbers = #tpu.dot_dimension_numbers<[1], [0], [0], [1], [0, 0, 1, 1], [], []>, transpose_lhs_hint = false} : vector<432x432xbf16>, vector<432x64xbf16>, vector<432x64xf32> -> vector<432x64xf32>
    %slice3A_335 = vector.extract_strided_slice %add3A_38 {offsets = [0, 704], sizes = [432, 64], strides = [1, 1]} : vector<432x768xf32> to vector<432x64xf32>
    %slice3A_336 = vector.extract_strided_slice %add3A_50 {offsets = [0, 704], sizes = [432, 64], strides = [1, 1]} : vector<432x768xf32> to vector<432x64xf32>
    %convert_element_type3A_337 = arith.truncf %slice3A_335 : vector<432x64xf32> to vector<432x64xbf16>
    %convert_element_type3A_338 = arith.truncf %slice3A_336 : vector<432x64xf32> to vector<432x64xbf16>
    %dot_general3A_339 = arith.constant dense<0.000000e+00> : vector<432x432xf32>
    %dot_general3A_340 = tpu.matmul %convert_element_type3A_337, %convert_element_type3A_338, %dot_general3A_339 {dimension_numbers = #tpu.dot_dimension_numbers<[1], [1], [0], [0], [0, 0, 1, 0], [], []>, transpose_lhs_hint = false} : vector<432x64xbf16>, vector<432x64xbf16>, vector<432x432xf32> -> vector<432x432xf32>
    %mul3A_341 = arith.constant 1.250000e-01 : f32
    %mul3A_342 = vector.broadcast %mul3A_341 : f32 to vector<432x432xf32>
    %mul3A_343 = arith.mulf %dot_general3A_340, %mul3A_342 : vector<432x432xf32>
    %reduce_max3A_344 = arith.constant dense<0xFF800000> : vector<432xf32>
    %reduce_max3A_345 = vector.multi_reduction <maximumf>, %mul3A_343, %reduce_max3A_344 [1] : vector<432x432xf32> to vector<432xf32>
    %broadcast_in_dim3A_346 = vector.shape_cast %reduce_max3A_345 : vector<432xf32> to vector<432x1xf32>
    %sub3A_347 = vector.broadcast %broadcast_in_dim3A_346 : vector<432x1xf32> to vector<432x432xf32>
    %sub3A_348 = arith.subf %mul3A_343, %sub3A_347 : vector<432x432xf32>
    %exp3A_349 = math.exp %sub3A_348 : vector<432x432xf32>
    %reduce_sum3A_350 = arith.constant dense<0.000000e+00> : vector<432xf32>
    %reduce_sum3A_351 = vector.multi_reduction <add>, %exp3A_349, %reduce_sum3A_350 [1] : vector<432x432xf32> to vector<432xf32>
    %broadcast_in_dim3A_352 = vector.shape_cast %reduce_sum3A_351 : vector<432xf32> to vector<432x1xf32>
    %div3A_353 = vector.broadcast %broadcast_in_dim3A_352 : vector<432x1xf32> to vector<432x432xf32>
    %div3A_354 = arith.divf %exp3A_349, %div3A_353 : vector<432x432xf32>
    %slice3A_355 = vector.extract_strided_slice %add3A_62 {offsets = [0, 704], sizes = [432, 64], strides = [1, 1]} : vector<432x768xf32> to vector<432x64xf32>
    %convert_element_type3A_356 = arith.truncf %div3A_354 : vector<432x432xf32> to vector<432x432xbf16>
    %convert_element_type3A_357 = arith.truncf %slice3A_355 : vector<432x64xf32> to vector<432x64xbf16>
    %dot_general3A_358 = arith.constant dense<0.000000e+00> : vector<432x64xf32>
    %dot_general3A_359 = tpu.matmul %convert_element_type3A_356, %convert_element_type3A_357, %dot_general3A_358 {dimension_numbers = #tpu.dot_dimension_numbers<[1], [0], [0], [1], [0, 0, 1, 1], [], []>, transpose_lhs_hint = false} : vector<432x432xbf16>, vector<432x64xbf16>, vector<432x64xf32> -> vector<432x64xf32>
    %concatenate3A = tpu.concatenate %dot_general3A_84, %dot_general3A_109, %dot_general3A_134, %dot_general3A_159, %dot_general3A_184, %dot_general3A_209, %dot_general3A_234, %dot_general3A_259, %dot_general3A_284, %dot_general3A_309, %dot_general3A_334, %dot_general3A_359 in 1 : vector<432x64xf32>, vector<432x64xf32>, vector<432x64xf32>, vector<432x64xf32>, vector<432x64xf32>, vector<432x64xf32>, vector<432x64xf32>, vector<432x64xf32>, vector<432x64xf32>, vector<432x64xf32>, vector<432x64xf32>, vector<432x64xf32> -> vector<432x768xf32>
    %get3A_360 = arith.constant 0 : index
    %get3A_361 = arith.constant 0 : index
    %get3A_362 = vector.load %arg11[%get3A_360, %get3A_361] : memref<768x768xf32, #tpu.memory_space<vmem>>, vector<768x768xf32>
    %convert_element_type3A_363 = arith.truncf %concatenate3A : vector<432x768xf32> to vector<432x768xbf16>
    %convert_element_type3A_364 = arith.truncf %get3A_362 : vector<768x768xf32> to vector<768x768xbf16>
    %dot_general3A_365 = arith.constant dense<0.000000e+00> : vector<432x768xf32>
    %dot_general3A_366 = tpu.matmul %convert_element_type3A_363, %convert_element_type3A_364, %dot_general3A_365 {dimension_numbers = #tpu.dot_dimension_numbers<[1], [0], [0], [1], [0, 0, 1, 1], [], []>, transpose_lhs_hint = false} : vector<432x768xbf16>, vector<768x768xbf16>, vector<432x768xf32> -> vector<432x768xf32>
    %add3A_367 = arith.addf %get3A_3, %dot_general3A_366 : vector<432x768xf32>
    %get3A_368 = arith.constant 0 : index
    %get3A_369 = vector.load %arg12[%get3A_368] : memref<768xf32, #tpu.memory_space<vmem>>, vector<768xf32>
    %broadcast_in_dim3A_370 = vector.shape_cast %get3A_369 : vector<768xf32> to vector<1x768xf32>
    %add3A_371 = vector.broadcast %broadcast_in_dim3A_370 : vector<1x768xf32> to vector<432x768xf32>
    %add3A_372 = arith.addf %add3A_367, %add3A_371 : vector<432x768xf32>
    %swap3A = arith.constant 0 : index
    %swap3A_373 = arith.constant 0 : index
    %swap3A_374 = arith.constant 0 : index
    %swap3A_375 = vector.load %arg13[%swap3A, %swap3A_373, %swap3A_374] : memref<1x432x768xf32, #tpu.memory_space<vmem>>, vector<1x432x768xf32>
    %swap3A_376 = vector.shape_cast %swap3A_375 : vector<1x432x768xf32> to vector<432x768xf32>
    %swap3A_377 = vector.shape_cast %add3A_372 : vector<432x768xf32> to vector<1x432x768xf32>
    tpu.vector_store %arg13[%swap3A, %swap3A_373, %swap3A_374], %swap3A_377 {strides = array<i32>} : memref<1x432x768xf32, #tpu.memory_space<vmem>>, vector<1x432x768xf32>,
    return
  }
  func.func @transform_0(%arg0: i32) -> (i32, i32, i32) {
    %c0_i32 = arith.constant 0 : i32
    %c0_i32_0 = arith.constant 0 : i32
    %c0_i32_1 = arith.constant 0 : i32
    return %arg0, %c0_i32, %c0_i32_0 : i32, i32, i32
  }
  func.func @transform_1(%arg0: i32) -> (i32, i32, i32) {
    %c0_i32 = arith.constant 0 : i32
    %c0_i32_0 = arith.constant 0 : i32
    %c0_i32_1 = arith.constant 0 : i32
    return %arg0, %c0_i32, %c0_i32_0 : i32, i32, i32
  }
  func.func @transform_2(%arg0: i32) -> i32 {
    %c0_i32 = arith.constant 0 : i32
    %c0_i32_0 = arith.constant 0 : i32
    return %c0_i32 : i32
  }
  func.func @transform_3(%arg0: i32) -> i32 {
    %c0_i32 = arith.constant 0 : i32
    %c0_i32_0 = arith.constant 0 : i32
    return %c0_i32 : i32
  }
  func.func @transform_4(%arg0: i32) -> (i32, i32) {
    %c0_i32 = arith.constant 0 : i32
    %c0_i32_0 = arith.constant 0 : i32
    %c0_i32_1 = arith.constant 0 : i32
    return %c0_i32, %c0_i32_0 : i32, i32
  }
  func.func @transform_5(%arg0: i32) -> i32 {
    %c0_i32 = arith.constant 0 : i32
    %c0_i32_0 = arith.constant 0 : i32
    return %c0_i32 : i32
  }
  func.func @transform_6(%arg0: i32) -> (i32, i32) {
    %c0_i32 = arith.constant 0 : i32
    %c0_i32_0 = arith.constant 0 : i32
    %c0_i32_1 = arith.constant 0 : i32
    return %c0_i32, %c0_i32_0 : i32, i32
  }
  func.func @transform_7(%arg0: i32) -> i32 {
    %c0_i32 = arith.constant 0 : i32
    %c0_i32_0 = arith.constant 0 : i32
    return %c0_i32 : i32
  }
  func.func @transform_8(%arg0: i32) -> (i32, i32) {
    %c0_i32 = arith.constant 0 : i32
    %c0_i32_0 = arith.constant 0 : i32
    %c0_i32_1 = arith.constant 0 : i32
    return %c0_i32, %c0_i32_0 : i32, i32
  }
  func.func @transform_9(%arg0: i32) -> i32 {
    %c0_i32 = arith.constant 0 : i32
    %c0_i32_0 = arith.constant 0 : i32
    return %c0_i32 : i32
  }
  func.func @transform_10(%arg0: i32) -> (i32, i32) {
    %c0_i32 = arith.constant 0 : i32
    %c0_i32_0 = arith.constant 0 : i32
    %c0_i32_1 = arith.constant 0 : i32
    return %c0_i32, %c0_i32_0 : i32, i32
  }
  func.func @transform_11(%arg0: i32) -> i32 {
    %c0_i32 = arith.constant 0 : i32
    %c0_i32_0 = arith.constant 0 : i32
    return %c0_i32 : i32
  }
  func.func @transform_12(%arg0: i32) -> (i32, i32, i32) {
    %c0_i32 = arith.constant 0 : i32
    %c0_i32_0 = arith.constant 0 : i32
    %c0_i32_1 = arith.constant 0 : i32
    return %arg0, %c0_i32, %c0_i32_0 : i32, i32, i32
  }
}

module attributes {stable_mosaic.version = 14 : i64} {
  func.func @_attn_body(%arg0: i32, %arg1: memref<1x432x768xf32, #tpu.memory_space<vmem>>, %arg2: memref<1x144x768xf32, #tpu.memory_space<vmem>>, %arg3: memref<768xf32, #tpu.memory_space<vmem>>, %arg4: memref<768xf32, #tpu.memory_space<vmem>>, %arg5: memref<768x768xf32, #tpu.memory_space<vmem>>, %arg6: memref<768xf32, #tpu.memory_space<vmem>>, %arg7: memref<768x768xf32, #tpu.memory_space<vmem>>, %arg8: memref<768xf32, #tpu.memory_space<vmem>>, %arg9: memref<768x768xf32, #tpu.memory_space<vmem>>, %arg10: memref<768xf32, #tpu.memory_space<vmem>>, %arg11: memref<768x768xf32, #tpu.memory_space<vmem>>, %arg12: memref<768xf32, #tpu.memory_space<vmem>>, %arg13: memref<1x432x768xf32, #tpu.memory_space<vmem>>) attributes {dimension_semantics = [#tpu.dimension_semantics<arbitrary>], iteration_bounds = array<i64: 8>, scalar_prefetch = 0 : i64, scratch_operands = 0 : i64, tpu.core_type = #tpu.core_type<tc>, window_params = [{transform_indices = @transform_0, window_bounds = array<i64: 1, 432, 768>}, {transform_indices = @transform_1, window_bounds = array<i64: 1, 144, 768>}, {pipeline_mode = #tpu.pipeline_mode<synchronous>, transform_indices = @transform_2, window_bounds = array<i64: 768>}, {pipeline_mode = #tpu.pipeline_mode<synchronous>, transform_indices = @transform_3, window_bounds = array<i64: 768>}, {pipeline_mode = #tpu.pipeline_mode<synchronous>, transform_indices = @transform_4, window_bounds = array<i64: 768, 768>}, {pipeline_mode = #tpu.pipeline_mode<synchronous>, transform_indices = @transform_5, window_bounds = array<i64: 768>}, {pipeline_mode = #tpu.pipeline_mode<synchronous>, transform_indices = @transform_6, window_bounds = array<i64: 768, 768>}, {pipeline_mode = #tpu.pipeline_mode<synchronous>, transform_indices = @transform_7, window_bounds = array<i64: 768>}, {pipeline_mode = #tpu.pipeline_mode<synchronous>, transform_indices = @transform_8, window_bounds = array<i64: 768, 768>}, {pipeline_mode = #tpu.pipeline_mode<synchronous>, transform_indices = @transform_9, window_bounds = array<i64: 768>}, {pipeline_mode = #tpu.pipeline_mode<synchronous>, transform_indices = @transform_10, window_bounds = array<i64: 768, 768>}, {pipeline_mode = #tpu.pipeline_mode<synchronous>, transform_indices = @transform_11, window_bounds = array<i64: 768>}, {transform_indices = @transform_12, window_bounds = array<i64: 1, 432, 768>}]} {
    %get3A = arith.constant 0 : index
    %get3A_0 = arith.constant 0 : index
    %get3A_1 = arith.constant 0 : index
    %get3A_2 = vector.load %arg1[%get3A, %get3A_0, %get3A_1] : memref<1x432x768xf32, #tpu.memory_space<vmem>>, vector<1x432x768xf32>
    %get3A_3 = vector.shape_cast %get3A_2 : vector<1x432x768xf32> to vector<432x768xf32>
    %get3A_4 = arith.constant 0 : index
    %get3A_5 = vector.load %arg3[%get3A_4] : memref<768xf32, #tpu.memory_space<vmem>>, vector<768xf32>
    %get3A_6 = arith.constant 0 : index
    %get3A_7 = vector.load %arg4[%get3A_6] : memref<768xf32, #tpu.memory_space<vmem>>, vector<768xf32>
    %reduce_sum3A = arith.constant dense<0.000000e+00> : vector<432xf32>
    %reduce_sum3A_8 = vector.multi_reduction <add>, %get3A_3, %reduce_sum3A [1] : vector<432x768xf32> to vector<432xf32>
    %broadcast_in_dim3A = vector.shape_cast %reduce_sum3A_8 : vector<432xf32> to vector<432x1xf32>
    %div3A = arith.constant 7.680000e+02 : f32
    %div3A_9 = vector.broadcast %div3A : f32 to vector<432x1xf32>
    %div3A_10 = arith.divf %broadcast_in_dim3A, %div3A_9 : vector<432x1xf32>
    %sub3A = vector.broadcast %div3A_10 : vector<432x1xf32> to vector<432x768xf32>
    %sub3A_11 = arith.subf %get3A_3, %sub3A : vector<432x768xf32>
    %integer_pow3A = arith.mulf %sub3A_11, %sub3A_11 : vector<432x768xf32>
    %reduce_sum3A_12 = arith.constant dense<0.000000e+00> : vector<432xf32>
    %reduce_sum3A_13 = vector.multi_reduction <add>, %integer_pow3A, %reduce_sum3A_12 [1] : vector<432x768xf32> to vector<432xf32>
    %broadcast_in_dim3A_14 = vector.shape_cast %reduce_sum3A_13 : vector<432xf32> to vector<432x1xf32>
    %div3A_15 = arith.constant 7.680000e+02 : f32
    %div3A_16 = vector.broadcast %div3A_15 : f32 to vector<432x1xf32>
    %div3A_17 = arith.divf %broadcast_in_dim3A_14, %div3A_16 : vector<432x1xf32>
    %sub3A_18 = vector.broadcast %div3A_10 : vector<432x1xf32> to vector<432x768xf32>
    %sub3A_19 = arith.subf %get3A_3, %sub3A_18 : vector<432x768xf32>
    %add3A = arith.constant 9.99999974E-6 : f32
    %add3A_20 = vector.broadcast %add3A : f32 to vector<432x1xf32>
    %add3A_21 = arith.addf %div3A_17, %add3A_20 : vector<432x1xf32>
    %sqrt3A = math.sqrt %add3A_21 : vector<432x1xf32>
    %div3A_22 = vector.broadcast %sqrt3A : vector<432x1xf32> to vector<432x768xf32>
    %div3A_23 = arith.divf %sub3A_19, %div3A_22 : vector<432x768xf32>
    %broadcast_in_dim3A_24 = vector.shape_cast %get3A_5 : vector<768xf32> to vector<1x768xf32>
    %mul3A = vector.broadcast %broadcast_in_dim3A_24 : vector<1x768xf32> to vector<432x768xf32>
    %mul3A_25 = arith.mulf %div3A_23, %mul3A : vector<432x768xf32>
    %broadcast_in_dim3A_26 = vector.shape_cast %get3A_7 : vector<768xf32> to vector<1x768xf32>
    %add3A_27 = vector.broadcast %broadcast_in_dim3A_26 : vector<1x768xf32> to vector<432x768xf32>
    %add3A_28 = arith.addf %mul3A_25, %add3A_27 : vector<432x768xf32>
    %get3A_29 = arith.constant 0 : index
    %get3A_30 = arith.constant 0 : index
    %get3A_31 = arith.constant 0 : index
    %get3A_32 = vector.load %arg2[%get3A_29, %get3A_30, %get3A_31] : memref<1x144x768xf32, #tpu.memory_space<vmem>>, vector<1x144x768xf32>
    %get3A_33 = vector.shape_cast %get3A_32 : vector<1x144x768xf32> to vector<144x768xf32>
    %get3A_34 = arith.constant 0 : index
    %get3A_35 = arith.constant 0 : index
    %get3A_36 = vector.load %arg5[%get3A_34, %get3A_35] : memref<768x768xf32, #tpu.memory_space<vmem>>, vector<768x768xf32>
    %convert_element_type3A = arith.truncf %add3A_28 : vector<432x768xf32> to vector<432x768xbf16>
    %convert_element_type3A_37 = arith.truncf %get3A_36 : vector<768x768xf32> to vector<768x768xbf16>
    %dot_general3A = arith.constant dense<0.000000e+00> : vector<432x768xf32>
    %dot_general3A_38 = tpu.matmul %convert_element_type3A, %convert_element_type3A_37, %dot_general3A {dimension_numbers = #tpu.dot_dimension_numbers<[1], [0], [0], [1], [0, 0, 1, 1], [], []>, transpose_lhs_hint = false} : vector<432x768xbf16>, vector<768x768xbf16>, vector<432x768xf32> -> vector<432x768xf32>
    %get3A_39 = arith.constant 0 : index
    %get3A_40 = vector.load %arg6[%get3A_39] : memref<768xf32, #tpu.memory_space<vmem>>, vector<768xf32>
    %broadcast_in_dim3A_41 = vector.shape_cast %get3A_40 : vector<768xf32> to vector<1x768xf32>
    %add3A_42 = vector.broadcast %broadcast_in_dim3A_41 : vector<1x768xf32> to vector<432x768xf32>
    %add3A_43 = arith.addf %dot_general3A_38, %add3A_42 : vector<432x768xf32>
    %get3A_44 = arith.constant 0 : index
    %get3A_45 = arith.constant 0 : index
    %get3A_46 = vector.load %arg7[%get3A_44, %get3A_45] : memref<768x768xf32, #tpu.memory_space<vmem>>, vector<768x768xf32>
    %convert_element_type3A_47 = arith.truncf %get3A_33 : vector<144x768xf32> to vector<144x768xbf16>
    %convert_element_type3A_48 = arith.truncf %get3A_46 : vector<768x768xf32> to vector<768x768xbf16>
    %dot_general3A_49 = arith.constant dense<0.000000e+00> : vector<144x768xf32>
    %dot_general3A_50 = tpu.matmul %convert_element_type3A_47, %convert_element_type3A_48, %dot_general3A_49 {dimension_numbers = #tpu.dot_dimension_numbers<[1], [0], [0], [1], [0, 0, 1, 1], [], []>, transpose_lhs_hint = false} : vector<144x768xbf16>, vector<768x768xbf16>, vector<144x768xf32> -> vector<144x768xf32>
    %get3A_51 = arith.constant 0 : index
    %get3A_52 = vector.load %arg8[%get3A_51] : memref<768xf32, #tpu.memory_space<vmem>>, vector<768xf32>
    %broadcast_in_dim3A_53 = vector.shape_cast %get3A_52 : vector<768xf32> to vector<1x768xf32>
    %add3A_54 = vector.broadcast %broadcast_in_dim3A_53 : vector<1x768xf32> to vector<144x768xf32>
    %add3A_55 = arith.addf %dot_general3A_50, %add3A_54 : vector<144x768xf32>
    %get3A_56 = arith.constant 0 : index
    %get3A_57 = arith.constant 0 : index
    %get3A_58 = vector.load %arg9[%get3A_56, %get3A_57] : memref<768x768xf32, #tpu.memory_space<vmem>>, vector<768x768xf32>
    %convert_element_type3A_59 = arith.truncf %get3A_33 : vector<144x768xf32> to vector<144x768xbf16>
    %convert_element_type3A_60 = arith.truncf %get3A_58 : vector<768x768xf32> to vector<768x768xbf16>
    %dot_general3A_61 = arith.constant dense<0.000000e+00> : vector<144x768xf32>
    %dot_general3A_62 = tpu.matmul %convert_element_type3A_59, %convert_element_type3A_60, %dot_general3A_61 {dimension_numbers = #tpu.dot_dimension_numbers<[1], [0], [0], [1], [0, 0, 1, 1], [], []>, transpose_lhs_hint = false} : vector<144x768xbf16>, vector<768x768xbf16>, vector<144x768xf32> -> vector<144x768xf32>
    %get3A_63 = arith.constant 0 : index
    %get3A_64 = vector.load %arg10[%get3A_63] : memref<768xf32, #tpu.memory_space<vmem>>, vector<768xf32>
    %broadcast_in_dim3A_65 = vector.shape_cast %get3A_64 : vector<768xf32> to vector<1x768xf32>
    %add3A_66 = vector.broadcast %broadcast_in_dim3A_65 : vector<1x768xf32> to vector<144x768xf32>
    %add3A_67 = arith.addf %dot_general3A_62, %add3A_66 : vector<144x768xf32>
    %slice3A = vector.extract_strided_slice %add3A_43 {offsets = [0, 0], sizes = [432, 64], strides = [1, 1]} : vector<432x768xf32> to vector<432x64xf32>
    %slice3A_68 = vector.extract_strided_slice %add3A_55 {offsets = [0, 0], sizes = [144, 64], strides = [1, 1]} : vector<144x768xf32> to vector<144x64xf32>
    %convert_element_type3A_69 = arith.truncf %slice3A : vector<432x64xf32> to vector<432x64xbf16>
    %convert_element_type3A_70 = arith.truncf %slice3A_68 : vector<144x64xf32> to vector<144x64xbf16>
    %dot_general3A_71 = arith.constant dense<0.000000e+00> : vector<432x144xf32>
    %dot_general3A_72 = tpu.matmul %convert_element_type3A_69, %convert_element_type3A_70, %dot_general3A_71 {dimension_numbers = #tpu.dot_dimension_numbers<[1], [1], [0], [0], [0, 0, 1, 0], [], []>, transpose_lhs_hint = false} : vector<432x64xbf16>, vector<144x64xbf16>, vector<432x144xf32> -> vector<432x144xf32>
    %mul3A_73 = arith.constant 1.250000e-01 : f32
    %mul3A_74 = vector.broadcast %mul3A_73 : f32 to vector<432x144xf32>
    %mul3A_75 = arith.mulf %dot_general3A_72, %mul3A_74 : vector<432x144xf32>
    %reduce_max3A = arith.constant dense<0xFF800000> : vector<432xf32>
    %reduce_max3A_76 = vector.multi_reduction <maximumf>, %mul3A_75, %reduce_max3A [1] : vector<432x144xf32> to vector<432xf32>
    %broadcast_in_dim3A_77 = vector.shape_cast %reduce_max3A_76 : vector<432xf32> to vector<432x1xf32>
    %sub3A_78 = vector.broadcast %broadcast_in_dim3A_77 : vector<432x1xf32> to vector<432x144xf32>
    %sub3A_79 = arith.subf %mul3A_75, %sub3A_78 : vector<432x144xf32>
    %exp3A = math.exp %sub3A_79 : vector<432x144xf32>
    %reduce_sum3A_80 = arith.constant dense<0.000000e+00> : vector<432xf32>
    %reduce_sum3A_81 = vector.multi_reduction <add>, %exp3A, %reduce_sum3A_80 [1] : vector<432x144xf32> to vector<432xf32>
    %broadcast_in_dim3A_82 = vector.shape_cast %reduce_sum3A_81 : vector<432xf32> to vector<432x1xf32>
    %div3A_83 = vector.broadcast %broadcast_in_dim3A_82 : vector<432x1xf32> to vector<432x144xf32>
    %div3A_84 = arith.divf %exp3A, %div3A_83 : vector<432x144xf32>
    %slice3A_85 = vector.extract_strided_slice %add3A_67 {offsets = [0, 0], sizes = [144, 64], strides = [1, 1]} : vector<144x768xf32> to vector<144x64xf32>
    %convert_element_type3A_86 = arith.truncf %div3A_84 : vector<432x144xf32> to vector<432x144xbf16>
    %convert_element_type3A_87 = arith.truncf %slice3A_85 : vector<144x64xf32> to vector<144x64xbf16>
    %dot_general3A_88 = arith.constant dense<0.000000e+00> : vector<432x64xf32>
    %dot_general3A_89 = tpu.matmul %convert_element_type3A_86, %convert_element_type3A_87, %dot_general3A_88 {dimension_numbers = #tpu.dot_dimension_numbers<[1], [0], [0], [1], [0, 0, 1, 1], [], []>, transpose_lhs_hint = false} : vector<432x144xbf16>, vector<144x64xbf16>, vector<432x64xf32> -> vector<432x64xf32>
    %slice3A_90 = vector.extract_strided_slice %add3A_43 {offsets = [0, 64], sizes = [432, 64], strides = [1, 1]} : vector<432x768xf32> to vector<432x64xf32>
    %slice3A_91 = vector.extract_strided_slice %add3A_55 {offsets = [0, 64], sizes = [144, 64], strides = [1, 1]} : vector<144x768xf32> to vector<144x64xf32>
    %convert_element_type3A_92 = arith.truncf %slice3A_90 : vector<432x64xf32> to vector<432x64xbf16>
    %convert_element_type3A_93 = arith.truncf %slice3A_91 : vector<144x64xf32> to vector<144x64xbf16>
    %dot_general3A_94 = arith.constant dense<0.000000e+00> : vector<432x144xf32>
    %dot_general3A_95 = tpu.matmul %convert_element_type3A_92, %convert_element_type3A_93, %dot_general3A_94 {dimension_numbers = #tpu.dot_dimension_numbers<[1], [1], [0], [0], [0, 0, 1, 0], [], []>, transpose_lhs_hint = false} : vector<432x64xbf16>, vector<144x64xbf16>, vector<432x144xf32> -> vector<432x144xf32>
    %mul3A_96 = arith.constant 1.250000e-01 : f32
    %mul3A_97 = vector.broadcast %mul3A_96 : f32 to vector<432x144xf32>
    %mul3A_98 = arith.mulf %dot_general3A_95, %mul3A_97 : vector<432x144xf32>
    %reduce_max3A_99 = arith.constant dense<0xFF800000> : vector<432xf32>
    %reduce_max3A_100 = vector.multi_reduction <maximumf>, %mul3A_98, %reduce_max3A_99 [1] : vector<432x144xf32> to vector<432xf32>
    %broadcast_in_dim3A_101 = vector.shape_cast %reduce_max3A_100 : vector<432xf32> to vector<432x1xf32>
    %sub3A_102 = vector.broadcast %broadcast_in_dim3A_101 : vector<432x1xf32> to vector<432x144xf32>
    %sub3A_103 = arith.subf %mul3A_98, %sub3A_102 : vector<432x144xf32>
    %exp3A_104 = math.exp %sub3A_103 : vector<432x144xf32>
    %reduce_sum3A_105 = arith.constant dense<0.000000e+00> : vector<432xf32>
    %reduce_sum3A_106 = vector.multi_reduction <add>, %exp3A_104, %reduce_sum3A_105 [1] : vector<432x144xf32> to vector<432xf32>
    %broadcast_in_dim3A_107 = vector.shape_cast %reduce_sum3A_106 : vector<432xf32> to vector<432x1xf32>
    %div3A_108 = vector.broadcast %broadcast_in_dim3A_107 : vector<432x1xf32> to vector<432x144xf32>
    %div3A_109 = arith.divf %exp3A_104, %div3A_108 : vector<432x144xf32>
    %slice3A_110 = vector.extract_strided_slice %add3A_67 {offsets = [0, 64], sizes = [144, 64], strides = [1, 1]} : vector<144x768xf32> to vector<144x64xf32>
    %convert_element_type3A_111 = arith.truncf %div3A_109 : vector<432x144xf32> to vector<432x144xbf16>
    %convert_element_type3A_112 = arith.truncf %slice3A_110 : vector<144x64xf32> to vector<144x64xbf16>
    %dot_general3A_113 = arith.constant dense<0.000000e+00> : vector<432x64xf32>
    %dot_general3A_114 = tpu.matmul %convert_element_type3A_111, %convert_element_type3A_112, %dot_general3A_113 {dimension_numbers = #tpu.dot_dimension_numbers<[1], [0], [0], [1], [0, 0, 1, 1], [], []>, transpose_lhs_hint = false} : vector<432x144xbf16>, vector<144x64xbf16>, vector<432x64xf32> -> vector<432x64xf32>
    %slice3A_115 = vector.extract_strided_slice %add3A_43 {offsets = [0, 128], sizes = [432, 64], strides = [1, 1]} : vector<432x768xf32> to vector<432x64xf32>
    %slice3A_116 = vector.extract_strided_slice %add3A_55 {offsets = [0, 128], sizes = [144, 64], strides = [1, 1]} : vector<144x768xf32> to vector<144x64xf32>
    %convert_element_type3A_117 = arith.truncf %slice3A_115 : vector<432x64xf32> to vector<432x64xbf16>
    %convert_element_type3A_118 = arith.truncf %slice3A_116 : vector<144x64xf32> to vector<144x64xbf16>
    %dot_general3A_119 = arith.constant dense<0.000000e+00> : vector<432x144xf32>
    %dot_general3A_120 = tpu.matmul %convert_element_type3A_117, %convert_element_type3A_118, %dot_general3A_119 {dimension_numbers = #tpu.dot_dimension_numbers<[1], [1], [0], [0], [0, 0, 1, 0], [], []>, transpose_lhs_hint = false} : vector<432x64xbf16>, vector<144x64xbf16>, vector<432x144xf32> -> vector<432x144xf32>
    %mul3A_121 = arith.constant 1.250000e-01 : f32
    %mul3A_122 = vector.broadcast %mul3A_121 : f32 to vector<432x144xf32>
    %mul3A_123 = arith.mulf %dot_general3A_120, %mul3A_122 : vector<432x144xf32>
    %reduce_max3A_124 = arith.constant dense<0xFF800000> : vector<432xf32>
    %reduce_max3A_125 = vector.multi_reduction <maximumf>, %mul3A_123, %reduce_max3A_124 [1] : vector<432x144xf32> to vector<432xf32>
    %broadcast_in_dim3A_126 = vector.shape_cast %reduce_max3A_125 : vector<432xf32> to vector<432x1xf32>
    %sub3A_127 = vector.broadcast %broadcast_in_dim3A_126 : vector<432x1xf32> to vector<432x144xf32>
    %sub3A_128 = arith.subf %mul3A_123, %sub3A_127 : vector<432x144xf32>
    %exp3A_129 = math.exp %sub3A_128 : vector<432x144xf32>
    %reduce_sum3A_130 = arith.constant dense<0.000000e+00> : vector<432xf32>
    %reduce_sum3A_131 = vector.multi_reduction <add>, %exp3A_129, %reduce_sum3A_130 [1] : vector<432x144xf32> to vector<432xf32>
    %broadcast_in_dim3A_132 = vector.shape_cast %reduce_sum3A_131 : vector<432xf32> to vector<432x1xf32>
    %div3A_133 = vector.broadcast %broadcast_in_dim3A_132 : vector<432x1xf32> to vector<432x144xf32>
    %div3A_134 = arith.divf %exp3A_129, %div3A_133 : vector<432x144xf32>
    %slice3A_135 = vector.extract_strided_slice %add3A_67 {offsets = [0, 128], sizes = [144, 64], strides = [1, 1]} : vector<144x768xf32> to vector<144x64xf32>
    %convert_element_type3A_136 = arith.truncf %div3A_134 : vector<432x144xf32> to vector<432x144xbf16>
    %convert_element_type3A_137 = arith.truncf %slice3A_135 : vector<144x64xf32> to vector<144x64xbf16>
    %dot_general3A_138 = arith.constant dense<0.000000e+00> : vector<432x64xf32>
    %dot_general3A_139 = tpu.matmul %convert_element_type3A_136, %convert_element_type3A_137, %dot_general3A_138 {dimension_numbers = #tpu.dot_dimension_numbers<[1], [0], [0], [1], [0, 0, 1, 1], [], []>, transpose_lhs_hint = false} : vector<432x144xbf16>, vector<144x64xbf16>, vector<432x64xf32> -> vector<432x64xf32>
    %slice3A_140 = vector.extract_strided_slice %add3A_43 {offsets = [0, 192], sizes = [432, 64], strides = [1, 1]} : vector<432x768xf32> to vector<432x64xf32>
    %slice3A_141 = vector.extract_strided_slice %add3A_55 {offsets = [0, 192], sizes = [144, 64], strides = [1, 1]} : vector<144x768xf32> to vector<144x64xf32>
    %convert_element_type3A_142 = arith.truncf %slice3A_140 : vector<432x64xf32> to vector<432x64xbf16>
    %convert_element_type3A_143 = arith.truncf %slice3A_141 : vector<144x64xf32> to vector<144x64xbf16>
    %dot_general3A_144 = arith.constant dense<0.000000e+00> : vector<432x144xf32>
    %dot_general3A_145 = tpu.matmul %convert_element_type3A_142, %convert_element_type3A_143, %dot_general3A_144 {dimension_numbers = #tpu.dot_dimension_numbers<[1], [1], [0], [0], [0, 0, 1, 0], [], []>, transpose_lhs_hint = false} : vector<432x64xbf16>, vector<144x64xbf16>, vector<432x144xf32> -> vector<432x144xf32>
    %mul3A_146 = arith.constant 1.250000e-01 : f32
    %mul3A_147 = vector.broadcast %mul3A_146 : f32 to vector<432x144xf32>
    %mul3A_148 = arith.mulf %dot_general3A_145, %mul3A_147 : vector<432x144xf32>
    %reduce_max3A_149 = arith.constant dense<0xFF800000> : vector<432xf32>
    %reduce_max3A_150 = vector.multi_reduction <maximumf>, %mul3A_148, %reduce_max3A_149 [1] : vector<432x144xf32> to vector<432xf32>
    %broadcast_in_dim3A_151 = vector.shape_cast %reduce_max3A_150 : vector<432xf32> to vector<432x1xf32>
    %sub3A_152 = vector.broadcast %broadcast_in_dim3A_151 : vector<432x1xf32> to vector<432x144xf32>
    %sub3A_153 = arith.subf %mul3A_148, %sub3A_152 : vector<432x144xf32>
    %exp3A_154 = math.exp %sub3A_153 : vector<432x144xf32>
    %reduce_sum3A_155 = arith.constant dense<0.000000e+00> : vector<432xf32>
    %reduce_sum3A_156 = vector.multi_reduction <add>, %exp3A_154, %reduce_sum3A_155 [1] : vector<432x144xf32> to vector<432xf32>
    %broadcast_in_dim3A_157 = vector.shape_cast %reduce_sum3A_156 : vector<432xf32> to vector<432x1xf32>
    %div3A_158 = vector.broadcast %broadcast_in_dim3A_157 : vector<432x1xf32> to vector<432x144xf32>
    %div3A_159 = arith.divf %exp3A_154, %div3A_158 : vector<432x144xf32>
    %slice3A_160 = vector.extract_strided_slice %add3A_67 {offsets = [0, 192], sizes = [144, 64], strides = [1, 1]} : vector<144x768xf32> to vector<144x64xf32>
    %convert_element_type3A_161 = arith.truncf %div3A_159 : vector<432x144xf32> to vector<432x144xbf16>
    %convert_element_type3A_162 = arith.truncf %slice3A_160 : vector<144x64xf32> to vector<144x64xbf16>
    %dot_general3A_163 = arith.constant dense<0.000000e+00> : vector<432x64xf32>
    %dot_general3A_164 = tpu.matmul %convert_element_type3A_161, %convert_element_type3A_162, %dot_general3A_163 {dimension_numbers = #tpu.dot_dimension_numbers<[1], [0], [0], [1], [0, 0, 1, 1], [], []>, transpose_lhs_hint = false} : vector<432x144xbf16>, vector<144x64xbf16>, vector<432x64xf32> -> vector<432x64xf32>
    %slice3A_165 = vector.extract_strided_slice %add3A_43 {offsets = [0, 256], sizes = [432, 64], strides = [1, 1]} : vector<432x768xf32> to vector<432x64xf32>
    %slice3A_166 = vector.extract_strided_slice %add3A_55 {offsets = [0, 256], sizes = [144, 64], strides = [1, 1]} : vector<144x768xf32> to vector<144x64xf32>
    %convert_element_type3A_167 = arith.truncf %slice3A_165 : vector<432x64xf32> to vector<432x64xbf16>
    %convert_element_type3A_168 = arith.truncf %slice3A_166 : vector<144x64xf32> to vector<144x64xbf16>
    %dot_general3A_169 = arith.constant dense<0.000000e+00> : vector<432x144xf32>
    %dot_general3A_170 = tpu.matmul %convert_element_type3A_167, %convert_element_type3A_168, %dot_general3A_169 {dimension_numbers = #tpu.dot_dimension_numbers<[1], [1], [0], [0], [0, 0, 1, 0], [], []>, transpose_lhs_hint = false} : vector<432x64xbf16>, vector<144x64xbf16>, vector<432x144xf32> -> vector<432x144xf32>
    %mul3A_171 = arith.constant 1.250000e-01 : f32
    %mul3A_172 = vector.broadcast %mul3A_171 : f32 to vector<432x144xf32>
    %mul3A_173 = arith.mulf %dot_general3A_170, %mul3A_172 : vector<432x144xf32>
    %reduce_max3A_174 = arith.constant dense<0xFF800000> : vector<432xf32>
    %reduce_max3A_175 = vector.multi_reduction <maximumf>, %mul3A_173, %reduce_max3A_174 [1] : vector<432x144xf32> to vector<432xf32>
    %broadcast_in_dim3A_176 = vector.shape_cast %reduce_max3A_175 : vector<432xf32> to vector<432x1xf32>
    %sub3A_177 = vector.broadcast %broadcast_in_dim3A_176 : vector<432x1xf32> to vector<432x144xf32>
    %sub3A_178 = arith.subf %mul3A_173, %sub3A_177 : vector<432x144xf32>
    %exp3A_179 = math.exp %sub3A_178 : vector<432x144xf32>
    %reduce_sum3A_180 = arith.constant dense<0.000000e+00> : vector<432xf32>
    %reduce_sum3A_181 = vector.multi_reduction <add>, %exp3A_179, %reduce_sum3A_180 [1] : vector<432x144xf32> to vector<432xf32>
    %broadcast_in_dim3A_182 = vector.shape_cast %reduce_sum3A_181 : vector<432xf32> to vector<432x1xf32>
    %div3A_183 = vector.broadcast %broadcast_in_dim3A_182 : vector<432x1xf32> to vector<432x144xf32>
    %div3A_184 = arith.divf %exp3A_179, %div3A_183 : vector<432x144xf32>
    %slice3A_185 = vector.extract_strided_slice %add3A_67 {offsets = [0, 256], sizes = [144, 64], strides = [1, 1]} : vector<144x768xf32> to vector<144x64xf32>
    %convert_element_type3A_186 = arith.truncf %div3A_184 : vector<432x144xf32> to vector<432x144xbf16>
    %convert_element_type3A_187 = arith.truncf %slice3A_185 : vector<144x64xf32> to vector<144x64xbf16>
    %dot_general3A_188 = arith.constant dense<0.000000e+00> : vector<432x64xf32>
    %dot_general3A_189 = tpu.matmul %convert_element_type3A_186, %convert_element_type3A_187, %dot_general3A_188 {dimension_numbers = #tpu.dot_dimension_numbers<[1], [0], [0], [1], [0, 0, 1, 1], [], []>, transpose_lhs_hint = false} : vector<432x144xbf16>, vector<144x64xbf16>, vector<432x64xf32> -> vector<432x64xf32>
    %slice3A_190 = vector.extract_strided_slice %add3A_43 {offsets = [0, 320], sizes = [432, 64], strides = [1, 1]} : vector<432x768xf32> to vector<432x64xf32>
    %slice3A_191 = vector.extract_strided_slice %add3A_55 {offsets = [0, 320], sizes = [144, 64], strides = [1, 1]} : vector<144x768xf32> to vector<144x64xf32>
    %convert_element_type3A_192 = arith.truncf %slice3A_190 : vector<432x64xf32> to vector<432x64xbf16>
    %convert_element_type3A_193 = arith.truncf %slice3A_191 : vector<144x64xf32> to vector<144x64xbf16>
    %dot_general3A_194 = arith.constant dense<0.000000e+00> : vector<432x144xf32>
    %dot_general3A_195 = tpu.matmul %convert_element_type3A_192, %convert_element_type3A_193, %dot_general3A_194 {dimension_numbers = #tpu.dot_dimension_numbers<[1], [1], [0], [0], [0, 0, 1, 0], [], []>, transpose_lhs_hint = false} : vector<432x64xbf16>, vector<144x64xbf16>, vector<432x144xf32> -> vector<432x144xf32>
    %mul3A_196 = arith.constant 1.250000e-01 : f32
    %mul3A_197 = vector.broadcast %mul3A_196 : f32 to vector<432x144xf32>
    %mul3A_198 = arith.mulf %dot_general3A_195, %mul3A_197 : vector<432x144xf32>
    %reduce_max3A_199 = arith.constant dense<0xFF800000> : vector<432xf32>
    %reduce_max3A_200 = vector.multi_reduction <maximumf>, %mul3A_198, %reduce_max3A_199 [1] : vector<432x144xf32> to vector<432xf32>
    %broadcast_in_dim3A_201 = vector.shape_cast %reduce_max3A_200 : vector<432xf32> to vector<432x1xf32>
    %sub3A_202 = vector.broadcast %broadcast_in_dim3A_201 : vector<432x1xf32> to vector<432x144xf32>
    %sub3A_203 = arith.subf %mul3A_198, %sub3A_202 : vector<432x144xf32>
    %exp3A_204 = math.exp %sub3A_203 : vector<432x144xf32>
    %reduce_sum3A_205 = arith.constant dense<0.000000e+00> : vector<432xf32>
    %reduce_sum3A_206 = vector.multi_reduction <add>, %exp3A_204, %reduce_sum3A_205 [1] : vector<432x144xf32> to vector<432xf32>
    %broadcast_in_dim3A_207 = vector.shape_cast %reduce_sum3A_206 : vector<432xf32> to vector<432x1xf32>
    %div3A_208 = vector.broadcast %broadcast_in_dim3A_207 : vector<432x1xf32> to vector<432x144xf32>
    %div3A_209 = arith.divf %exp3A_204, %div3A_208 : vector<432x144xf32>
    %slice3A_210 = vector.extract_strided_slice %add3A_67 {offsets = [0, 320], sizes = [144, 64], strides = [1, 1]} : vector<144x768xf32> to vector<144x64xf32>
    %convert_element_type3A_211 = arith.truncf %div3A_209 : vector<432x144xf32> to vector<432x144xbf16>
    %convert_element_type3A_212 = arith.truncf %slice3A_210 : vector<144x64xf32> to vector<144x64xbf16>
    %dot_general3A_213 = arith.constant dense<0.000000e+00> : vector<432x64xf32>
    %dot_general3A_214 = tpu.matmul %convert_element_type3A_211, %convert_element_type3A_212, %dot_general3A_213 {dimension_numbers = #tpu.dot_dimension_numbers<[1], [0], [0], [1], [0, 0, 1, 1], [], []>, transpose_lhs_hint = false} : vector<432x144xbf16>, vector<144x64xbf16>, vector<432x64xf32> -> vector<432x64xf32>
    %slice3A_215 = vector.extract_strided_slice %add3A_43 {offsets = [0, 384], sizes = [432, 64], strides = [1, 1]} : vector<432x768xf32> to vector<432x64xf32>
    %slice3A_216 = vector.extract_strided_slice %add3A_55 {offsets = [0, 384], sizes = [144, 64], strides = [1, 1]} : vector<144x768xf32> to vector<144x64xf32>
    %convert_element_type3A_217 = arith.truncf %slice3A_215 : vector<432x64xf32> to vector<432x64xbf16>
    %convert_element_type3A_218 = arith.truncf %slice3A_216 : vector<144x64xf32> to vector<144x64xbf16>
    %dot_general3A_219 = arith.constant dense<0.000000e+00> : vector<432x144xf32>
    %dot_general3A_220 = tpu.matmul %convert_element_type3A_217, %convert_element_type3A_218, %dot_general3A_219 {dimension_numbers = #tpu.dot_dimension_numbers<[1], [1], [0], [0], [0, 0, 1, 0], [], []>, transpose_lhs_hint = false} : vector<432x64xbf16>, vector<144x64xbf16>, vector<432x144xf32> -> vector<432x144xf32>
    %mul3A_221 = arith.constant 1.250000e-01 : f32
    %mul3A_222 = vector.broadcast %mul3A_221 : f32 to vector<432x144xf32>
    %mul3A_223 = arith.mulf %dot_general3A_220, %mul3A_222 : vector<432x144xf32>
    %reduce_max3A_224 = arith.constant dense<0xFF800000> : vector<432xf32>
    %reduce_max3A_225 = vector.multi_reduction <maximumf>, %mul3A_223, %reduce_max3A_224 [1] : vector<432x144xf32> to vector<432xf32>
    %broadcast_in_dim3A_226 = vector.shape_cast %reduce_max3A_225 : vector<432xf32> to vector<432x1xf32>
    %sub3A_227 = vector.broadcast %broadcast_in_dim3A_226 : vector<432x1xf32> to vector<432x144xf32>
    %sub3A_228 = arith.subf %mul3A_223, %sub3A_227 : vector<432x144xf32>
    %exp3A_229 = math.exp %sub3A_228 : vector<432x144xf32>
    %reduce_sum3A_230 = arith.constant dense<0.000000e+00> : vector<432xf32>
    %reduce_sum3A_231 = vector.multi_reduction <add>, %exp3A_229, %reduce_sum3A_230 [1] : vector<432x144xf32> to vector<432xf32>
    %broadcast_in_dim3A_232 = vector.shape_cast %reduce_sum3A_231 : vector<432xf32> to vector<432x1xf32>
    %div3A_233 = vector.broadcast %broadcast_in_dim3A_232 : vector<432x1xf32> to vector<432x144xf32>
    %div3A_234 = arith.divf %exp3A_229, %div3A_233 : vector<432x144xf32>
    %slice3A_235 = vector.extract_strided_slice %add3A_67 {offsets = [0, 384], sizes = [144, 64], strides = [1, 1]} : vector<144x768xf32> to vector<144x64xf32>
    %convert_element_type3A_236 = arith.truncf %div3A_234 : vector<432x144xf32> to vector<432x144xbf16>
    %convert_element_type3A_237 = arith.truncf %slice3A_235 : vector<144x64xf32> to vector<144x64xbf16>
    %dot_general3A_238 = arith.constant dense<0.000000e+00> : vector<432x64xf32>
    %dot_general3A_239 = tpu.matmul %convert_element_type3A_236, %convert_element_type3A_237, %dot_general3A_238 {dimension_numbers = #tpu.dot_dimension_numbers<[1], [0], [0], [1], [0, 0, 1, 1], [], []>, transpose_lhs_hint = false} : vector<432x144xbf16>, vector<144x64xbf16>, vector<432x64xf32> -> vector<432x64xf32>
    %slice3A_240 = vector.extract_strided_slice %add3A_43 {offsets = [0, 448], sizes = [432, 64], strides = [1, 1]} : vector<432x768xf32> to vector<432x64xf32>
    %slice3A_241 = vector.extract_strided_slice %add3A_55 {offsets = [0, 448], sizes = [144, 64], strides = [1, 1]} : vector<144x768xf32> to vector<144x64xf32>
    %convert_element_type3A_242 = arith.truncf %slice3A_240 : vector<432x64xf32> to vector<432x64xbf16>
    %convert_element_type3A_243 = arith.truncf %slice3A_241 : vector<144x64xf32> to vector<144x64xbf16>
    %dot_general3A_244 = arith.constant dense<0.000000e+00> : vector<432x144xf32>
    %dot_general3A_245 = tpu.matmul %convert_element_type3A_242, %convert_element_type3A_243, %dot_general3A_244 {dimension_numbers = #tpu.dot_dimension_numbers<[1], [1], [0], [0], [0, 0, 1, 0], [], []>, transpose_lhs_hint = false} : vector<432x64xbf16>, vector<144x64xbf16>, vector<432x144xf32> -> vector<432x144xf32>
    %mul3A_246 = arith.constant 1.250000e-01 : f32
    %mul3A_247 = vector.broadcast %mul3A_246 : f32 to vector<432x144xf32>
    %mul3A_248 = arith.mulf %dot_general3A_245, %mul3A_247 : vector<432x144xf32>
    %reduce_max3A_249 = arith.constant dense<0xFF800000> : vector<432xf32>
    %reduce_max3A_250 = vector.multi_reduction <maximumf>, %mul3A_248, %reduce_max3A_249 [1] : vector<432x144xf32> to vector<432xf32>
    %broadcast_in_dim3A_251 = vector.shape_cast %reduce_max3A_250 : vector<432xf32> to vector<432x1xf32>
    %sub3A_252 = vector.broadcast %broadcast_in_dim3A_251 : vector<432x1xf32> to vector<432x144xf32>
    %sub3A_253 = arith.subf %mul3A_248, %sub3A_252 : vector<432x144xf32>
    %exp3A_254 = math.exp %sub3A_253 : vector<432x144xf32>
    %reduce_sum3A_255 = arith.constant dense<0.000000e+00> : vector<432xf32>
    %reduce_sum3A_256 = vector.multi_reduction <add>, %exp3A_254, %reduce_sum3A_255 [1] : vector<432x144xf32> to vector<432xf32>
    %broadcast_in_dim3A_257 = vector.shape_cast %reduce_sum3A_256 : vector<432xf32> to vector<432x1xf32>
    %div3A_258 = vector.broadcast %broadcast_in_dim3A_257 : vector<432x1xf32> to vector<432x144xf32>
    %div3A_259 = arith.divf %exp3A_254, %div3A_258 : vector<432x144xf32>
    %slice3A_260 = vector.extract_strided_slice %add3A_67 {offsets = [0, 448], sizes = [144, 64], strides = [1, 1]} : vector<144x768xf32> to vector<144x64xf32>
    %convert_element_type3A_261 = arith.truncf %div3A_259 : vector<432x144xf32> to vector<432x144xbf16>
    %convert_element_type3A_262 = arith.truncf %slice3A_260 : vector<144x64xf32> to vector<144x64xbf16>
    %dot_general3A_263 = arith.constant dense<0.000000e+00> : vector<432x64xf32>
    %dot_general3A_264 = tpu.matmul %convert_element_type3A_261, %convert_element_type3A_262, %dot_general3A_263 {dimension_numbers = #tpu.dot_dimension_numbers<[1], [0], [0], [1], [0, 0, 1, 1], [], []>, transpose_lhs_hint = false} : vector<432x144xbf16>, vector<144x64xbf16>, vector<432x64xf32> -> vector<432x64xf32>
    %slice3A_265 = vector.extract_strided_slice %add3A_43 {offsets = [0, 512], sizes = [432, 64], strides = [1, 1]} : vector<432x768xf32> to vector<432x64xf32>
    %slice3A_266 = vector.extract_strided_slice %add3A_55 {offsets = [0, 512], sizes = [144, 64], strides = [1, 1]} : vector<144x768xf32> to vector<144x64xf32>
    %convert_element_type3A_267 = arith.truncf %slice3A_265 : vector<432x64xf32> to vector<432x64xbf16>
    %convert_element_type3A_268 = arith.truncf %slice3A_266 : vector<144x64xf32> to vector<144x64xbf16>
    %dot_general3A_269 = arith.constant dense<0.000000e+00> : vector<432x144xf32>
    %dot_general3A_270 = tpu.matmul %convert_element_type3A_267, %convert_element_type3A_268, %dot_general3A_269 {dimension_numbers = #tpu.dot_dimension_numbers<[1], [1], [0], [0], [0, 0, 1, 0], [], []>, transpose_lhs_hint = false} : vector<432x64xbf16>, vector<144x64xbf16>, vector<432x144xf32> -> vector<432x144xf32>
    %mul3A_271 = arith.constant 1.250000e-01 : f32
    %mul3A_272 = vector.broadcast %mul3A_271 : f32 to vector<432x144xf32>
    %mul3A_273 = arith.mulf %dot_general3A_270, %mul3A_272 : vector<432x144xf32>
    %reduce_max3A_274 = arith.constant dense<0xFF800000> : vector<432xf32>
    %reduce_max3A_275 = vector.multi_reduction <maximumf>, %mul3A_273, %reduce_max3A_274 [1] : vector<432x144xf32> to vector<432xf32>
    %broadcast_in_dim3A_276 = vector.shape_cast %reduce_max3A_275 : vector<432xf32> to vector<432x1xf32>
    %sub3A_277 = vector.broadcast %broadcast_in_dim3A_276 : vector<432x1xf32> to vector<432x144xf32>
    %sub3A_278 = arith.subf %mul3A_273, %sub3A_277 : vector<432x144xf32>
    %exp3A_279 = math.exp %sub3A_278 : vector<432x144xf32>
    %reduce_sum3A_280 = arith.constant dense<0.000000e+00> : vector<432xf32>
    %reduce_sum3A_281 = vector.multi_reduction <add>, %exp3A_279, %reduce_sum3A_280 [1] : vector<432x144xf32> to vector<432xf32>
    %broadcast_in_dim3A_282 = vector.shape_cast %reduce_sum3A_281 : vector<432xf32> to vector<432x1xf32>
    %div3A_283 = vector.broadcast %broadcast_in_dim3A_282 : vector<432x1xf32> to vector<432x144xf32>
    %div3A_284 = arith.divf %exp3A_279, %div3A_283 : vector<432x144xf32>
    %slice3A_285 = vector.extract_strided_slice %add3A_67 {offsets = [0, 512], sizes = [144, 64], strides = [1, 1]} : vector<144x768xf32> to vector<144x64xf32>
    %convert_element_type3A_286 = arith.truncf %div3A_284 : vector<432x144xf32> to vector<432x144xbf16>
    %convert_element_type3A_287 = arith.truncf %slice3A_285 : vector<144x64xf32> to vector<144x64xbf16>
    %dot_general3A_288 = arith.constant dense<0.000000e+00> : vector<432x64xf32>
    %dot_general3A_289 = tpu.matmul %convert_element_type3A_286, %convert_element_type3A_287, %dot_general3A_288 {dimension_numbers = #tpu.dot_dimension_numbers<[1], [0], [0], [1], [0, 0, 1, 1], [], []>, transpose_lhs_hint = false} : vector<432x144xbf16>, vector<144x64xbf16>, vector<432x64xf32> -> vector<432x64xf32>
    %slice3A_290 = vector.extract_strided_slice %add3A_43 {offsets = [0, 576], sizes = [432, 64], strides = [1, 1]} : vector<432x768xf32> to vector<432x64xf32>
    %slice3A_291 = vector.extract_strided_slice %add3A_55 {offsets = [0, 576], sizes = [144, 64], strides = [1, 1]} : vector<144x768xf32> to vector<144x64xf32>
    %convert_element_type3A_292 = arith.truncf %slice3A_290 : vector<432x64xf32> to vector<432x64xbf16>
    %convert_element_type3A_293 = arith.truncf %slice3A_291 : vector<144x64xf32> to vector<144x64xbf16>
    %dot_general3A_294 = arith.constant dense<0.000000e+00> : vector<432x144xf32>
    %dot_general3A_295 = tpu.matmul %convert_element_type3A_292, %convert_element_type3A_293, %dot_general3A_294 {dimension_numbers = #tpu.dot_dimension_numbers<[1], [1], [0], [0], [0, 0, 1, 0], [], []>, transpose_lhs_hint = false} : vector<432x64xbf16>, vector<144x64xbf16>, vector<432x144xf32> -> vector<432x144xf32>
    %mul3A_296 = arith.constant 1.250000e-01 : f32
    %mul3A_297 = vector.broadcast %mul3A_296 : f32 to vector<432x144xf32>
    %mul3A_298 = arith.mulf %dot_general3A_295, %mul3A_297 : vector<432x144xf32>
    %reduce_max3A_299 = arith.constant dense<0xFF800000> : vector<432xf32>
    %reduce_max3A_300 = vector.multi_reduction <maximumf>, %mul3A_298, %reduce_max3A_299 [1] : vector<432x144xf32> to vector<432xf32>
    %broadcast_in_dim3A_301 = vector.shape_cast %reduce_max3A_300 : vector<432xf32> to vector<432x1xf32>
    %sub3A_302 = vector.broadcast %broadcast_in_dim3A_301 : vector<432x1xf32> to vector<432x144xf32>
    %sub3A_303 = arith.subf %mul3A_298, %sub3A_302 : vector<432x144xf32>
    %exp3A_304 = math.exp %sub3A_303 : vector<432x144xf32>
    %reduce_sum3A_305 = arith.constant dense<0.000000e+00> : vector<432xf32>
    %reduce_sum3A_306 = vector.multi_reduction <add>, %exp3A_304, %reduce_sum3A_305 [1] : vector<432x144xf32> to vector<432xf32>
    %broadcast_in_dim3A_307 = vector.shape_cast %reduce_sum3A_306 : vector<432xf32> to vector<432x1xf32>
    %div3A_308 = vector.broadcast %broadcast_in_dim3A_307 : vector<432x1xf32> to vector<432x144xf32>
    %div3A_309 = arith.divf %exp3A_304, %div3A_308 : vector<432x144xf32>
    %slice3A_310 = vector.extract_strided_slice %add3A_67 {offsets = [0, 576], sizes = [144, 64], strides = [1, 1]} : vector<144x768xf32> to vector<144x64xf32>
    %convert_element_type3A_311 = arith.truncf %div3A_309 : vector<432x144xf32> to vector<432x144xbf16>
    %convert_element_type3A_312 = arith.truncf %slice3A_310 : vector<144x64xf32> to vector<144x64xbf16>
    %dot_general3A_313 = arith.constant dense<0.000000e+00> : vector<432x64xf32>
    %dot_general3A_314 = tpu.matmul %convert_element_type3A_311, %convert_element_type3A_312, %dot_general3A_313 {dimension_numbers = #tpu.dot_dimension_numbers<[1], [0], [0], [1], [0, 0, 1, 1], [], []>, transpose_lhs_hint = false} : vector<432x144xbf16>, vector<144x64xbf16>, vector<432x64xf32> -> vector<432x64xf32>
    %slice3A_315 = vector.extract_strided_slice %add3A_43 {offsets = [0, 640], sizes = [432, 64], strides = [1, 1]} : vector<432x768xf32> to vector<432x64xf32>
    %slice3A_316 = vector.extract_strided_slice %add3A_55 {offsets = [0, 640], sizes = [144, 64], strides = [1, 1]} : vector<144x768xf32> to vector<144x64xf32>
    %convert_element_type3A_317 = arith.truncf %slice3A_315 : vector<432x64xf32> to vector<432x64xbf16>
    %convert_element_type3A_318 = arith.truncf %slice3A_316 : vector<144x64xf32> to vector<144x64xbf16>
    %dot_general3A_319 = arith.constant dense<0.000000e+00> : vector<432x144xf32>
    %dot_general3A_320 = tpu.matmul %convert_element_type3A_317, %convert_element_type3A_318, %dot_general3A_319 {dimension_numbers = #tpu.dot_dimension_numbers<[1], [1], [0], [0], [0, 0, 1, 0], [], []>, transpose_lhs_hint = false} : vector<432x64xbf16>, vector<144x64xbf16>, vector<432x144xf32> -> vector<432x144xf32>
    %mul3A_321 = arith.constant 1.250000e-01 : f32
    %mul3A_322 = vector.broadcast %mul3A_321 : f32 to vector<432x144xf32>
    %mul3A_323 = arith.mulf %dot_general3A_320, %mul3A_322 : vector<432x144xf32>
    %reduce_max3A_324 = arith.constant dense<0xFF800000> : vector<432xf32>
    %reduce_max3A_325 = vector.multi_reduction <maximumf>, %mul3A_323, %reduce_max3A_324 [1] : vector<432x144xf32> to vector<432xf32>
    %broadcast_in_dim3A_326 = vector.shape_cast %reduce_max3A_325 : vector<432xf32> to vector<432x1xf32>
    %sub3A_327 = vector.broadcast %broadcast_in_dim3A_326 : vector<432x1xf32> to vector<432x144xf32>
    %sub3A_328 = arith.subf %mul3A_323, %sub3A_327 : vector<432x144xf32>
    %exp3A_329 = math.exp %sub3A_328 : vector<432x144xf32>
    %reduce_sum3A_330 = arith.constant dense<0.000000e+00> : vector<432xf32>
    %reduce_sum3A_331 = vector.multi_reduction <add>, %exp3A_329, %reduce_sum3A_330 [1] : vector<432x144xf32> to vector<432xf32>
    %broadcast_in_dim3A_332 = vector.shape_cast %reduce_sum3A_331 : vector<432xf32> to vector<432x1xf32>
    %div3A_333 = vector.broadcast %broadcast_in_dim3A_332 : vector<432x1xf32> to vector<432x144xf32>
    %div3A_334 = arith.divf %exp3A_329, %div3A_333 : vector<432x144xf32>
    %slice3A_335 = vector.extract_strided_slice %add3A_67 {offsets = [0, 640], sizes = [144, 64], strides = [1, 1]} : vector<144x768xf32> to vector<144x64xf32>
    %convert_element_type3A_336 = arith.truncf %div3A_334 : vector<432x144xf32> to vector<432x144xbf16>
    %convert_element_type3A_337 = arith.truncf %slice3A_335 : vector<144x64xf32> to vector<144x64xbf16>
    %dot_general3A_338 = arith.constant dense<0.000000e+00> : vector<432x64xf32>
    %dot_general3A_339 = tpu.matmul %convert_element_type3A_336, %convert_element_type3A_337, %dot_general3A_338 {dimension_numbers = #tpu.dot_dimension_numbers<[1], [0], [0], [1], [0, 0, 1, 1], [], []>, transpose_lhs_hint = false} : vector<432x144xbf16>, vector<144x64xbf16>, vector<432x64xf32> -> vector<432x64xf32>
    %slice3A_340 = vector.extract_strided_slice %add3A_43 {offsets = [0, 704], sizes = [432, 64], strides = [1, 1]} : vector<432x768xf32> to vector<432x64xf32>
    %slice3A_341 = vector.extract_strided_slice %add3A_55 {offsets = [0, 704], sizes = [144, 64], strides = [1, 1]} : vector<144x768xf32> to vector<144x64xf32>
    %convert_element_type3A_342 = arith.truncf %slice3A_340 : vector<432x64xf32> to vector<432x64xbf16>
    %convert_element_type3A_343 = arith.truncf %slice3A_341 : vector<144x64xf32> to vector<144x64xbf16>
    %dot_general3A_344 = arith.constant dense<0.000000e+00> : vector<432x144xf32>
    %dot_general3A_345 = tpu.matmul %convert_element_type3A_342, %convert_element_type3A_343, %dot_general3A_344 {dimension_numbers = #tpu.dot_dimension_numbers<[1], [1], [0], [0], [0, 0, 1, 0], [], []>, transpose_lhs_hint = false} : vector<432x64xbf16>, vector<144x64xbf16>, vector<432x144xf32> -> vector<432x144xf32>
    %mul3A_346 = arith.constant 1.250000e-01 : f32
    %mul3A_347 = vector.broadcast %mul3A_346 : f32 to vector<432x144xf32>
    %mul3A_348 = arith.mulf %dot_general3A_345, %mul3A_347 : vector<432x144xf32>
    %reduce_max3A_349 = arith.constant dense<0xFF800000> : vector<432xf32>
    %reduce_max3A_350 = vector.multi_reduction <maximumf>, %mul3A_348, %reduce_max3A_349 [1] : vector<432x144xf32> to vector<432xf32>
    %broadcast_in_dim3A_351 = vector.shape_cast %reduce_max3A_350 : vector<432xf32> to vector<432x1xf32>
    %sub3A_352 = vector.broadcast %broadcast_in_dim3A_351 : vector<432x1xf32> to vector<432x144xf32>
    %sub3A_353 = arith.subf %mul3A_348, %sub3A_352 : vector<432x144xf32>
    %exp3A_354 = math.exp %sub3A_353 : vector<432x144xf32>
    %reduce_sum3A_355 = arith.constant dense<0.000000e+00> : vector<432xf32>
    %reduce_sum3A_356 = vector.multi_reduction <add>, %exp3A_354, %reduce_sum3A_355 [1] : vector<432x144xf32> to vector<432xf32>
    %broadcast_in_dim3A_357 = vector.shape_cast %reduce_sum3A_356 : vector<432xf32> to vector<432x1xf32>
    %div3A_358 = vector.broadcast %broadcast_in_dim3A_357 : vector<432x1xf32> to vector<432x144xf32>
    %div3A_359 = arith.divf %exp3A_354, %div3A_358 : vector<432x144xf32>
    %slice3A_360 = vector.extract_strided_slice %add3A_67 {offsets = [0, 704], sizes = [144, 64], strides = [1, 1]} : vector<144x768xf32> to vector<144x64xf32>
    %convert_element_type3A_361 = arith.truncf %div3A_359 : vector<432x144xf32> to vector<432x144xbf16>
    %convert_element_type3A_362 = arith.truncf %slice3A_360 : vector<144x64xf32> to vector<144x64xbf16>
    %dot_general3A_363 = arith.constant dense<0.000000e+00> : vector<432x64xf32>
    %dot_general3A_364 = tpu.matmul %convert_element_type3A_361, %convert_element_type3A_362, %dot_general3A_363 {dimension_numbers = #tpu.dot_dimension_numbers<[1], [0], [0], [1], [0, 0, 1, 1], [], []>, transpose_lhs_hint = false} : vector<432x144xbf16>, vector<144x64xbf16>, vector<432x64xf32> -> vector<432x64xf32>
    %concatenate3A = tpu.concatenate %dot_general3A_89, %dot_general3A_114, %dot_general3A_139, %dot_general3A_164, %dot_general3A_189, %dot_general3A_214, %dot_general3A_239, %dot_general3A_264, %dot_general3A_289, %dot_general3A_314, %dot_general3A_339, %dot_general3A_364 in 1 : vector<432x64xf32>, vector<432x64xf32>, vector<432x64xf32>, vector<432x64xf32>, vector<432x64xf32>, vector<432x64xf32>, vector<432x64xf32>, vector<432x64xf32>, vector<432x64xf32>, vector<432x64xf32>, vector<432x64xf32>, vector<432x64xf32> -> vector<432x768xf32>
    %get3A_365 = arith.constant 0 : index
    %get3A_366 = arith.constant 0 : index
    %get3A_367 = vector.load %arg11[%get3A_365, %get3A_366] : memref<768x768xf32, #tpu.memory_space<vmem>>, vector<768x768xf32>
    %convert_element_type3A_368 = arith.truncf %concatenate3A : vector<432x768xf32> to vector<432x768xbf16>
    %convert_element_type3A_369 = arith.truncf %get3A_367 : vector<768x768xf32> to vector<768x768xbf16>
    %dot_general3A_370 = arith.constant dense<0.000000e+00> : vector<432x768xf32>
    %dot_general3A_371 = tpu.matmul %convert_element_type3A_368, %convert_element_type3A_369, %dot_general3A_370 {dimension_numbers = #tpu.dot_dimension_numbers<[1], [0], [0], [1], [0, 0, 1, 1], [], []>, transpose_lhs_hint = false} : vector<432x768xbf16>, vector<768x768xbf16>, vector<432x768xf32> -> vector<432x768xf32>
    %add3A_372 = arith.addf %get3A_3, %dot_general3A_371 : vector<432x768xf32>
    %get3A_373 = arith.constant 0 : index
    %get3A_374 = vector.load %arg12[%get3A_373] : memref<768xf32, #tpu.memory_space<vmem>>, vector<768xf32>
    %broadcast_in_dim3A_375 = vector.shape_cast %get3A_374 : vector<768xf32> to vector<1x768xf32>
    %add3A_376 = vector.broadcast %broadcast_in_dim3A_375 : vector<1x768xf32> to vector<432x768xf32>
    %add3A_377 = arith.addf %add3A_372, %add3A_376 : vector<432x768xf32>
    %swap3A = arith.constant 0 : index
    %swap3A_378 = arith.constant 0 : index
    %swap3A_379 = arith.constant 0 : index
    %swap3A_380 = vector.load %arg13[%swap3A, %swap3A_378, %swap3A_379] : memref<1x432x768xf32, #tpu.memory_space<vmem>>, vector<1x432x768xf32>
    %swap3A_381 = vector.shape_cast %swap3A_380 : vector<1x432x768xf32> to vector<432x768xf32>
    %swap3A_382 = vector.shape_cast %add3A_377 : vector<432x768xf32> to vector<1x432x768xf32>
    tpu.vector_store %arg13[%swap3A, %swap3A_378, %swap3A_379], %swap3A_382 {strides = array<i32>} : memref<1x432x768xf32, #tpu.memory_space<vmem>>, vector<1x432x768xf32>,
    return
  }
  func.func @transform_0(%arg0: i32) -> (i32, i32, i32) {
    %c0_i32 = arith.constant 0 : i32
    %c0_i32_0 = arith.constant 0 : i32
    %c0_i32_1 = arith.constant 0 : i32
    return %arg0, %c0_i32, %c0_i32_0 : i32, i32, i32
  }
  func.func @transform_1(%arg0: i32) -> (i32, i32, i32) {
    %c0_i32 = arith.constant 0 : i32
    %c0_i32_0 = arith.constant 0 : i32
    %c0_i32_1 = arith.constant 0 : i32
    return %arg0, %c0_i32, %c0_i32_0 : i32, i32, i32
  }
  func.func @transform_2(%arg0: i32) -> i32 {
    %c0_i32 = arith.constant 0 : i32
    %c0_i32_0 = arith.constant 0 : i32
    return %c0_i32 : i32
  }
  func.func @transform_3(%arg0: i32) -> i32 {
    %c0_i32 = arith.constant 0 : i32
    %c0_i32_0 = arith.constant 0 : i32
    return %c0_i32 : i32
  }
  func.func @transform_4(%arg0: i32) -> (i32, i32) {
    %c0_i32 = arith.constant 0 : i32
    %c0_i32_0 = arith.constant 0 : i32
    %c0_i32_1 = arith.constant 0 : i32
    return %c0_i32, %c0_i32_0 : i32, i32
  }
  func.func @transform_5(%arg0: i32) -> i32 {
    %c0_i32 = arith.constant 0 : i32
    %c0_i32_0 = arith.constant 0 : i32
    return %c0_i32 : i32
  }
  func.func @transform_6(%arg0: i32) -> (i32, i32) {
    %c0_i32 = arith.constant 0 : i32
    %c0_i32_0 = arith.constant 0 : i32
    %c0_i32_1 = arith.constant 0 : i32
    return %c0_i32, %c0_i32_0 : i32, i32
  }
  func.func @transform_7(%arg0: i32) -> i32 {
    %c0_i32 = arith.constant 0 : i32
    %c0_i32_0 = arith.constant 0 : i32
    return %c0_i32 : i32
  }
  func.func @transform_8(%arg0: i32) -> (i32, i32) {
    %c0_i32 = arith.constant 0 : i32
    %c0_i32_0 = arith.constant 0 : i32
    %c0_i32_1 = arith.constant 0 : i32
    return %c0_i32, %c0_i32_0 : i32, i32
  }
  func.func @transform_9(%arg0: i32) -> i32 {
    %c0_i32 = arith.constant 0 : i32
    %c0_i32_0 = arith.constant 0 : i32
    return %c0_i32 : i32
  }
  func.func @transform_10(%arg0: i32) -> (i32, i32) {
    %c0_i32 = arith.constant 0 : i32
    %c0_i32_0 = arith.constant 0 : i32
    %c0_i32_1 = arith.constant 0 : i32
    return %c0_i32, %c0_i32_0 : i32, i32
  }
  func.func @transform_11(%arg0: i32) -> i32 {
    %c0_i32 = arith.constant 0 : i32
    %c0_i32_0 = arith.constant 0 : i32
    return %c0_i32 : i32
  }
  func.func @transform_12(%arg0: i32) -> (i32, i32, i32) {
    %c0_i32 = arith.constant 0 : i32
    %c0_i32_0 = arith.constant 0 : i32
    %c0_i32_1 = arith.constant 0 : i32
    return %arg0, %c0_i32, %c0_i32_0 : i32, i32, i32
  }
}

module attributes {stable_mosaic.version = 14 : i64} {
  func.func @_ffn_body(%arg0: i32, %arg1: memref<1x432x768xf32, #tpu.memory_space<vmem>>, %arg2: memref<768xf32, #tpu.memory_space<vmem>>, %arg3: memref<768xf32, #tpu.memory_space<vmem>>, %arg4: memref<768x3072xf32, #tpu.memory_space<vmem>>, %arg5: memref<3072xf32, #tpu.memory_space<vmem>>, %arg6: memref<3072x768xf32, #tpu.memory_space<vmem>>, %arg7: memref<768xf32, #tpu.memory_space<vmem>>, %arg8: memref<1x432x768xf32, #tpu.memory_space<vmem>>) attributes {dimension_semantics = [#tpu.dimension_semantics<arbitrary>], iteration_bounds = array<i64: 8>, scalar_prefetch = 0 : i64, scratch_operands = 0 : i64, tpu.core_type = #tpu.core_type<tc>, window_params = [{transform_indices = @transform_0, window_bounds = array<i64: 1, 432, 768>}, {pipeline_mode = #tpu.pipeline_mode<synchronous>, transform_indices = @transform_1, window_bounds = array<i64: 768>}, {pipeline_mode = #tpu.pipeline_mode<synchronous>, transform_indices = @transform_2, window_bounds = array<i64: 768>}, {pipeline_mode = #tpu.pipeline_mode<synchronous>, transform_indices = @transform_3, window_bounds = array<i64: 768, 3072>}, {pipeline_mode = #tpu.pipeline_mode<synchronous>, transform_indices = @transform_4, window_bounds = array<i64: 3072>}, {pipeline_mode = #tpu.pipeline_mode<synchronous>, transform_indices = @transform_5, window_bounds = array<i64: 3072, 768>}, {pipeline_mode = #tpu.pipeline_mode<synchronous>, transform_indices = @transform_6, window_bounds = array<i64: 768>}, {transform_indices = @transform_7, window_bounds = array<i64: 1, 432, 768>}]} {
    %get3A = arith.constant 0 : index
    %get3A_0 = arith.constant 0 : index
    %get3A_1 = arith.constant 0 : index
    %get3A_2 = vector.load %arg1[%get3A, %get3A_0, %get3A_1] : memref<1x432x768xf32, #tpu.memory_space<vmem>>, vector<1x432x768xf32>
    %get3A_3 = vector.shape_cast %get3A_2 : vector<1x432x768xf32> to vector<432x768xf32>
    %get3A_4 = arith.constant 0 : index
    %get3A_5 = vector.load %arg2[%get3A_4] : memref<768xf32, #tpu.memory_space<vmem>>, vector<768xf32>
    %get3A_6 = arith.constant 0 : index
    %get3A_7 = vector.load %arg3[%get3A_6] : memref<768xf32, #tpu.memory_space<vmem>>, vector<768xf32>
    %reduce_sum3A = arith.constant dense<0.000000e+00> : vector<432xf32>
    %reduce_sum3A_8 = vector.multi_reduction <add>, %get3A_3, %reduce_sum3A [1] : vector<432x768xf32> to vector<432xf32>
    %broadcast_in_dim3A = vector.shape_cast %reduce_sum3A_8 : vector<432xf32> to vector<432x1xf32>
    %div3A = arith.constant 7.680000e+02 : f32
    %div3A_9 = vector.broadcast %div3A : f32 to vector<432x1xf32>
    %div3A_10 = arith.divf %broadcast_in_dim3A, %div3A_9 : vector<432x1xf32>
    %sub3A = vector.broadcast %div3A_10 : vector<432x1xf32> to vector<432x768xf32>
    %sub3A_11 = arith.subf %get3A_3, %sub3A : vector<432x768xf32>
    %integer_pow3A = arith.mulf %sub3A_11, %sub3A_11 : vector<432x768xf32>
    %reduce_sum3A_12 = arith.constant dense<0.000000e+00> : vector<432xf32>
    %reduce_sum3A_13 = vector.multi_reduction <add>, %integer_pow3A, %reduce_sum3A_12 [1] : vector<432x768xf32> to vector<432xf32>
    %broadcast_in_dim3A_14 = vector.shape_cast %reduce_sum3A_13 : vector<432xf32> to vector<432x1xf32>
    %div3A_15 = arith.constant 7.680000e+02 : f32
    %div3A_16 = vector.broadcast %div3A_15 : f32 to vector<432x1xf32>
    %div3A_17 = arith.divf %broadcast_in_dim3A_14, %div3A_16 : vector<432x1xf32>
    %sub3A_18 = vector.broadcast %div3A_10 : vector<432x1xf32> to vector<432x768xf32>
    %sub3A_19 = arith.subf %get3A_3, %sub3A_18 : vector<432x768xf32>
    %add3A = arith.constant 9.99999974E-6 : f32
    %add3A_20 = vector.broadcast %add3A : f32 to vector<432x1xf32>
    %add3A_21 = arith.addf %div3A_17, %add3A_20 : vector<432x1xf32>
    %sqrt3A = math.sqrt %add3A_21 : vector<432x1xf32>
    %div3A_22 = vector.broadcast %sqrt3A : vector<432x1xf32> to vector<432x768xf32>
    %div3A_23 = arith.divf %sub3A_19, %div3A_22 : vector<432x768xf32>
    %broadcast_in_dim3A_24 = vector.shape_cast %get3A_5 : vector<768xf32> to vector<1x768xf32>
    %mul3A = vector.broadcast %broadcast_in_dim3A_24 : vector<1x768xf32> to vector<432x768xf32>
    %mul3A_25 = arith.mulf %div3A_23, %mul3A : vector<432x768xf32>
    %broadcast_in_dim3A_26 = vector.shape_cast %get3A_7 : vector<768xf32> to vector<1x768xf32>
    %add3A_27 = vector.broadcast %broadcast_in_dim3A_26 : vector<1x768xf32> to vector<432x768xf32>
    %add3A_28 = arith.addf %mul3A_25, %add3A_27 : vector<432x768xf32>
    %get3A_29 = arith.constant 0 : index
    %get3A_30 = arith.constant 0 : index
    %get3A_31 = vector.load %arg4[%get3A_29, %get3A_30] : memref<768x3072xf32, #tpu.memory_space<vmem>>, vector<768x3072xf32>
    %convert_element_type3A = arith.truncf %add3A_28 : vector<432x768xf32> to vector<432x768xbf16>
    %convert_element_type3A_32 = arith.truncf %get3A_31 : vector<768x3072xf32> to vector<768x3072xbf16>
    %dot_general3A = arith.constant dense<0.000000e+00> : vector<432x3072xf32>
    %dot_general3A_33 = tpu.matmul %convert_element_type3A, %convert_element_type3A_32, %dot_general3A {dimension_numbers = #tpu.dot_dimension_numbers<[1], [0], [0], [1], [0, 0, 1, 1], [], []>, transpose_lhs_hint = false} : vector<432x768xbf16>, vector<768x3072xbf16>, vector<432x3072xf32> -> vector<432x3072xf32>
    %get3A_34 = arith.constant 0 : index
    %get3A_35 = vector.load %arg5[%get3A_34] : memref<3072xf32, #tpu.memory_space<vmem>>, vector<3072xf32>
    %broadcast_in_dim3A_36 = vector.shape_cast %get3A_35 : vector<3072xf32> to vector<1x3072xf32>
    %add3A_37 = vector.broadcast %broadcast_in_dim3A_36 : vector<1x3072xf32> to vector<432x3072xf32>
    %add3A_38 = arith.addf %dot_general3A_33, %add3A_37 : vector<432x3072xf32>
    %max3A = arith.constant 0.000000e+00 : f32
    %max3A_39 = vector.broadcast %max3A : f32 to vector<432x3072xf32>
    %max3A_40 = arith.maximumf %add3A_38, %max3A_39 : vector<432x3072xf32>
    %get3A_41 = arith.constant 0 : index
    %get3A_42 = arith.constant 0 : index
    %get3A_43 = vector.load %arg6[%get3A_41, %get3A_42] : memref<3072x768xf32, #tpu.memory_space<vmem>>, vector<3072x768xf32>
    %convert_element_type3A_44 = arith.truncf %max3A_40 : vector<432x3072xf32> to vector<432x3072xbf16>
    %convert_element_type3A_45 = arith.truncf %get3A_43 : vector<3072x768xf32> to vector<3072x768xbf16>
    %dot_general3A_46 = arith.constant dense<0.000000e+00> : vector<432x768xf32>
    %dot_general3A_47 = tpu.matmul %convert_element_type3A_44, %convert_element_type3A_45, %dot_general3A_46 {dimension_numbers = #tpu.dot_dimension_numbers<[1], [0], [0], [1], [0, 0, 1, 1], [], []>, transpose_lhs_hint = false} : vector<432x3072xbf16>, vector<3072x768xbf16>, vector<432x768xf32> -> vector<432x768xf32>
    %add3A_48 = arith.addf %get3A_3, %dot_general3A_47 : vector<432x768xf32>
    %get3A_49 = arith.constant 0 : index
    %get3A_50 = vector.load %arg7[%get3A_49] : memref<768xf32, #tpu.memory_space<vmem>>, vector<768xf32>
    %broadcast_in_dim3A_51 = vector.shape_cast %get3A_50 : vector<768xf32> to vector<1x768xf32>
    %add3A_52 = vector.broadcast %broadcast_in_dim3A_51 : vector<1x768xf32> to vector<432x768xf32>
    %add3A_53 = arith.addf %add3A_48, %add3A_52 : vector<432x768xf32>
    %swap3A = arith.constant 0 : index
    %swap3A_54 = arith.constant 0 : index
    %swap3A_55 = arith.constant 0 : index
    %swap3A_56 = vector.load %arg8[%swap3A, %swap3A_54, %swap3A_55] : memref<1x432x768xf32, #tpu.memory_space<vmem>>, vector<1x432x768xf32>
    %swap3A_57 = vector.shape_cast %swap3A_56 : vector<1x432x768xf32> to vector<432x768xf32>
    %swap3A_58 = vector.shape_cast %add3A_53 : vector<432x768xf32> to vector<1x432x768xf32>
    tpu.vector_store %arg8[%swap3A, %swap3A_54, %swap3A_55], %swap3A_58 {strides = array<i32>} : memref<1x432x768xf32, #tpu.memory_space<vmem>>, vector<1x432x768xf32>,
    return
  }
  func.func @transform_0(%arg0: i32) -> (i32, i32, i32) {
    %c0_i32 = arith.constant 0 : i32
    %c0_i32_0 = arith.constant 0 : i32
    %c0_i32_1 = arith.constant 0 : i32
    return %arg0, %c0_i32, %c0_i32_0 : i32, i32, i32
  }
  func.func @transform_1(%arg0: i32) -> i32 {
    %c0_i32 = arith.constant 0 : i32
    %c0_i32_0 = arith.constant 0 : i32
    return %c0_i32 : i32
  }
  func.func @transform_2(%arg0: i32) -> i32 {
    %c0_i32 = arith.constant 0 : i32
    %c0_i32_0 = arith.constant 0 : i32
    return %c0_i32 : i32
  }
  func.func @transform_3(%arg0: i32) -> (i32, i32) {
    %c0_i32 = arith.constant 0 : i32
    %c0_i32_0 = arith.constant 0 : i32
    %c0_i32_1 = arith.constant 0 : i32
    return %c0_i32, %c0_i32_0 : i32, i32
  }
  func.func @transform_4(%arg0: i32) -> i32 {
    %c0_i32 = arith.constant 0 : i32
    %c0_i32_0 = arith.constant 0 : i32
    return %c0_i32 : i32
  }
  func.func @transform_5(%arg0: i32) -> (i32, i32) {
    %c0_i32 = arith.constant 0 : i32
    %c0_i32_0 = arith.constant 0 : i32
    %c0_i32_1 = arith.constant 0 : i32
    return %c0_i32, %c0_i32_0 : i32, i32
  }
  func.func @transform_6(%arg0: i32) -> i32 {
    %c0_i32 = arith.constant 0 : i32
    %c0_i32_0 = arith.constant 0 : i32
    return %c0_i32 : i32
  }
  func.func @transform_7(%arg0: i32) -> (i32, i32, i32) {
    %c0_i32 = arith.constant 0 : i32
    %c0_i32_0 = arith.constant 0 : i32
    %c0_i32_1 = arith.constant 0 : i32
    return %arg0, %c0_i32, %c0_i32_0 : i32, i32, i32
  }
}

module attributes {stable_mosaic.version = 14 : i64} {
  func.func @_out_body(%arg0: i32, %arg1: memref<1x432x768xf32, #tpu.memory_space<vmem>>, %arg2: memref<768x768xf32, #tpu.memory_space<vmem>>, %arg3: memref<768xf32, #tpu.memory_space<vmem>>, %arg4: memref<1x432x768xf32, #tpu.memory_space<vmem>>) attributes {dimension_semantics = [#tpu.dimension_semantics<arbitrary>], iteration_bounds = array<i64: 8>, scalar_prefetch = 0 : i64, scratch_operands = 0 : i64, tpu.core_type = #tpu.core_type<tc>, window_params = [{transform_indices = @transform_0, window_bounds = array<i64: 1, 432, 768>}, {pipeline_mode = #tpu.pipeline_mode<synchronous>, transform_indices = @transform_1, window_bounds = array<i64: 768, 768>}, {pipeline_mode = #tpu.pipeline_mode<synchronous>, transform_indices = @transform_2, window_bounds = array<i64: 768>}, {transform_indices = @transform_3, window_bounds = array<i64: 1, 432, 768>}]} {
    %get3A = arith.constant 0 : index
    %get3A_0 = arith.constant 0 : index
    %get3A_1 = arith.constant 0 : index
    %get3A_2 = vector.load %arg1[%get3A, %get3A_0, %get3A_1] : memref<1x432x768xf32, #tpu.memory_space<vmem>>, vector<1x432x768xf32>
    %get3A_3 = vector.shape_cast %get3A_2 : vector<1x432x768xf32> to vector<432x768xf32>
    %get3A_4 = arith.constant 0 : index
    %get3A_5 = arith.constant 0 : index
    %get3A_6 = vector.load %arg2[%get3A_4, %get3A_5] : memref<768x768xf32, #tpu.memory_space<vmem>>, vector<768x768xf32>
    %convert_element_type3A = arith.truncf %get3A_3 : vector<432x768xf32> to vector<432x768xbf16>
    %convert_element_type3A_7 = arith.truncf %get3A_6 : vector<768x768xf32> to vector<768x768xbf16>
    %dot_general3A = arith.constant dense<0.000000e+00> : vector<432x768xf32>
    %dot_general3A_8 = tpu.matmul %convert_element_type3A, %convert_element_type3A_7, %dot_general3A {dimension_numbers = #tpu.dot_dimension_numbers<[1], [0], [0], [1], [0, 0, 1, 1], [], []>, transpose_lhs_hint = false} : vector<432x768xbf16>, vector<768x768xbf16>, vector<432x768xf32> -> vector<432x768xf32>
    %get3A_9 = arith.constant 0 : index
    %get3A_10 = vector.load %arg3[%get3A_9] : memref<768xf32, #tpu.memory_space<vmem>>, vector<768xf32>
    %broadcast_in_dim3A = vector.shape_cast %get3A_10 : vector<768xf32> to vector<1x768xf32>
    %add3A = vector.broadcast %broadcast_in_dim3A : vector<1x768xf32> to vector<432x768xf32>
    %add3A_11 = arith.addf %dot_general3A_8, %add3A : vector<432x768xf32>
    %swap3A = arith.constant 0 : index
    %swap3A_12 = arith.constant 0 : index
    %swap3A_13 = arith.constant 0 : index
    %swap3A_14 = vector.load %arg4[%swap3A, %swap3A_12, %swap3A_13] : memref<1x432x768xf32, #tpu.memory_space<vmem>>, vector<1x432x768xf32>
    %swap3A_15 = vector.shape_cast %swap3A_14 : vector<1x432x768xf32> to vector<432x768xf32>
    %swap3A_16 = vector.shape_cast %add3A_11 : vector<432x768xf32> to vector<1x432x768xf32>
    tpu.vector_store %arg4[%swap3A, %swap3A_12, %swap3A_13], %swap3A_16 {strides = array<i32>} : memref<1x432x768xf32, #tpu.memory_space<vmem>>, vector<1x432x768xf32>,
    return
  }
  func.func @transform_0(%arg0: i32) -> (i32, i32, i32) {
    %c0_i32 = arith.constant 0 : i32
    %c0_i32_0 = arith.constant 0 : i32
    %c0_i32_1 = arith.constant 0 : i32
    return %arg0, %c0_i32, %c0_i32_0 : i32, i32, i32
  }
  func.func @transform_1(%arg0: i32) -> (i32, i32) {
    %c0_i32 = arith.constant 0 : i32
    %c0_i32_0 = arith.constant 0 : i32
    %c0_i32_1 = arith.constant 0 : i32
    return %c0_i32, %c0_i32_0 : i32, i32
  }
  func.func @transform_2(%arg0: i32) -> i32 {
    %c0_i32 = arith.constant 0 : i32
    %c0_i32_0 = arith.constant 0 : i32
    return %c0_i32 : i32
  }
  func.func @transform_3(%arg0: i32) -> (i32, i32, i32) {
    %c0_i32 = arith.constant 0 : i32
    %c0_i32_0 = arith.constant 0 : i32
    %c0_i32_1 = arith.constant 0 : i32
    return %arg0, %c0_i32, %c0_i32_0 : i32, i32, i32
  }
}

</mosaic_0001>

<sc_bundles>
// kernel: gather_offload_async_start.1
scs
__scs_entry_jumppad:
0x0: {  	(pc) =	sbr.rel $0x88, $3  }
0x1: {  	(tag) =	ssettag $0x0;
	lr =	simm.s32 $0x1  }
0x2: {  	[smem:$0x3F26] =	sst lr;
	_ =	strace $0xD0000000  }
0x3: {  	_ = 	snop  }
0x4: {  	_ = 	snop  }
0x5: {  	_ = 	snop  }
0x6: {  	_ = 	snop  }
0x7: {  	_ = 	snop  }
__scs_overlays_trampoline_lowered:
0x8: {  	[smem:$0x3F35] =	sst s0  }
0x9: {  	[smem:$0x3F36] =	sst s1  }
0xa: {  	[smem:$0x3F37] =	sst s2  }
0xb: {  	[smem:$0x3F38] =	sst s3  }
0xc: {  	[smem:$0x3F39] =	sst s4  }
0xd: {  	[smem:$0x3F3A] =	sst s5  }
0xe: {  	[smem:$0x3F3B] =	sst s6  }
0xf: {  	[smem:$0x3F3C] =	sst s7  }
0x10: {  	[smem:$0x3F3D] =	sst s8  }
0x11: {  	[smem:$0x3F3E] =	sst s9;
	s0 =	simm.s32 @!p0 $0x0  }
0x12: {  	s1 =	sld [smem:$0x3F24];
	s0 =	simm.s32 @p0 $0x1  }
0x13: {  	[smem:$0x3F3F] =	sst s0;
	s0 =	simm.s32 @!p1 $0x0  }
0x14: {  	s2 =	sld [smem:$0x3F23];
	s0 =	simm.s32 @p1 $0x1  }
0x15: {  	[smem:$0x3F40] =	sst s0;
	s0 =	simm.s32 @!p2 $0x0  }
0x16: {  	s3 =	sld [smem:$0x3FDB];
	s0 =	simm.s32 @p2 $0x1  }
0x17: {  	s4 =	simm.s32 $0x1BF5;
	[smem:$0x3F42] =	sst s0  }
0x18: {  	s0 =	sld [smem:$0x3F25];
	_ =	swait.ge [sflag:s4], $0x0  }
0x19: {  	s7 =	sld [smem:$0x3F26]  }
0x1a: {  	s8 =	sadd.s32 $0xFFFFE003, lr  }
0x1b: {  	s9 =	sadd.s32 $0xFFFFFEF7, lr;
	s5 =	simm.s32 $0xFFFFFFFF;
	p2 =	slt.u32 s8, $0xFFFFF086  }
0x1c: {  	p1 =	slt.u32 s9, $0xF7A;
	s5 =	simm.s32 @!p2 $0x0  }
0x1d: {  	s5 =	simm.s32 @p1 $0x1;
	p0 =	seq.s32 s7, s2  }
0x1e: {  	s7 =	smul.u32 @!p0 $0xF7A, s2;
	p2 =	seq.s32 @!p0 s5, $0x0  }
0x1f: {  	s9 =	smul.u32 $0xF7A, s1;
	s8 =	simm.s32 @!p0 $0x1BF5;
	p2 =	por !p2, p0  }
0x20: {  	[sflag:s8] =	ssyncset.s32 @!p0 $0xFFFFF086;
	s6 =	sadd.s32 @!p0 s3, s7;
	s7 =	simm.s32 @!p0 $0x108  }
0x21: {  	s3 =	sadd.s32 s3, s9;
	s6 =	sadd.s32 @!p0 $0x88, s6;
	s7 =	simm.s32 @p2 $0x1082  }
0x22: {  	[simem:s7], [sflag:s8] =	dma.local @!p0 [hbm:s6], $0xF7A  }
0x23: {  	s9 =	sor.u32 $0xD0000000, s2;
	s6 =	simm.s32 $0x108;
	_ =	swait.ge @!p0 [sflag:s8], $0x0  }
0x24: {  	s3 =	sadd.s32 $0x88, s3;
	s6 =	simm.s32 @!p1 $0x1082;
	[sflag:s4] =	ssyncset.s32 $0xFFFFF086  }
0x25: {  	[simem:s6], [sflag:s4] =	dma.local [hbm:s3], $0xF7A  }
0x26: {  	[smem:$0x3F26] =	sst s1;
	(tag) =	ssettag s2;
	_ =	strace s9  }
0x27: {  	s1 =	sld [smem:$0x3F36]  }
0x28: {  	s2 =	sld [smem:$0x3F37]  }
0x29: {  	s4 =	sld [smem:$0x3F39]  }
0x2a: {  	p0 =	seq.s32 s5, $0x0;
	s5 =	sld [smem:$0x3F3A]  }
0x2b: {  	s6 =	sld [smem:$0x3F3B]  }
0x2c: {  	s7 =	sld [smem:$0x3F3C]  }
0x2d: {  	s3 =	simm.s32 $0x108;
	s8 =	sld [smem:$0x3F3D]  }
0x2e: {  	s3 =	simm.s32 @!p0 $0x1082;
	s9 =	sld [smem:$0x3F3E]  }
0x2f: {  	lr =	sadd.s32 s0, s3;
	s0 =	sld [smem:$0x3F35]  }
0x30: {  	s3 =	sld [smem:$0x3F38]  }
0x31: {  	[smem:$0x3F41] =	sst s10  }
0x32: {  	s10 =	sld [smem:$0x3F3F];
	_ =	sdelay $0x3  }
0x33: {  	p0 =	seq.s32 s10, $0x1;
	s10 =	sld [smem:$0x3F41];
	_ =	sdelay $0x3  }
0x34: {  	[smem:$0x3F41] =	sst s10  }
0x35: {  	s10 =	sld [smem:$0x3F40];
	_ =	sdelay $0x3  }
0x36: {  	p1 =	seq.s32 s10, $0x1;
	s10 =	sld [smem:$0x3F41];
	_ =	sdelay $0x3  }
0x37: {  	[smem:$0x3F41] =	sst s10  }
0x38: {  	s10 =	sld [smem:$0x3F42]  }
0x39: {  	_ = 	snop;
	(pc) =	sbr.ind lr, $3  }
0x3a: {  	_ = 	snop  }
0x3b: {  	_ = 	snop  }
0x3c: {  	p2 =	seq.s32 s10, $0x1;
	s10 =	sld [smem:$0x3F41]  }
0x3d: {  	_ =	shalt  }
0x3e: {  	_ =	shalt  }
0x3f: {  	_ =	shalt  }
0x40: {  	_ =	shalt  }
0x41: {  	_ =	shalt  }
0x42: {  	_ =	shalt  }
0x43: {  	_ =	shalt  }
0x44: {  	_ =	shalt  }
0x45: {  	_ =	shalt  }
0x46: {  	_ =	shalt  }
0x47: {  	_ =	shalt  }
0x48: {  	_ =	shalt  }
0x49: {  	_ =	shalt  }
0x4a: {  	_ =	shalt  }
0x4b: {  	_ =	shalt  }
0x4c: {  	_ =	shalt  }
0x4d: {  	_ =	shalt  }
0x4e: {  	_ =	shalt  }
0x4f: {  	_ =	shalt  }
0x50: {  	_ =	shalt  }
0x51: {  	_ =	shalt  }
0x52: {  	_ =	shalt  }
0x53: {  	_ =	shalt  }
0x54: {  	_ =	shalt  }
0x55: {  	_ =	shalt  }
0x56: {  	_ =	shalt  }
0x57: {  	_ =	shalt  }
0x58: {  	_ =	shalt  }
0x59: {  	_ =	shalt  }
0x5a: {  	_ =	shalt  }
0x5b: {  	_ =	shalt  }
0x5c: {  	_ =	shalt  }
0x5d: {  	_ =	shalt  }
0x5e: {  	_ =	shalt  }
0x5f: {  	_ =	shalt  }
0x60: {  	_ =	shalt  }
0x61: {  	_ =	shalt  }
0x62: {  	_ =	shalt  }
0x63: {  	_ =	shalt  }
0x64: {  	_ =	shalt  }
0x65: {  	_ =	shalt  }
0x66: {  	_ =	shalt  }
0x67: {  	_ =	shalt  }
0x68: {  	_ =	shalt  }
0x69: {  	_ =	shalt  }
0x6a: {  	_ =	shalt  }
0x6b: {  	_ =	shalt  }
0x6c: {  	_ =	shalt  }
0x6d: {  	_ =	shalt  }
0x6e: {  	_ =	shalt  }
0x6f: {  	_ =	shalt  }
0x70: {  	_ =	shalt  }
0x71: {  	_ =	shalt  }
0x72: {  	_ =	shalt  }
0x73: {  	_ =	shalt  }
0x74: {  	_ =	shalt  }
0x75: {  	_ =	shalt  }
0x76: {  	_ =	shalt  }
0x77: {  	_ =	shalt  }
0x78: {  	_ =	shalt  }
0x79: {  	_ =	shalt  }
0x7a: {  	_ =	shalt  }
0x7b: {  	_ =	shalt  }
0x7c: {  	_ =	shalt  }
0x7d: {  	_ =	shalt  }
0x7e: {  	_ =	shalt  }
0x7f: {  	_ =	shalt  }
0x80: {  	_ =	shalt  }
0x81: {  	_ =	shalt  }
0x82: {  	_ =	shalt  }
0x83: {  	_ =	shalt  }
0x84: {  	_ =	shalt  }
0x85: {  	_ =	shalt  }
0x86: {  	_ =	shalt  }
0x87: {  	_ =	shalt  }
.Lfunc_end0:
.L_simem_size_0:
called_computation.1_lowered:
.L_overlay_start_0:
0x88: {  	s2 =	sld [smem:$0x3FD9]  }
0x89: {  	s3 =	sld [smem:$0x3FFE];
	_ =	sdelay $0x1  }
0x8a: {  	s1 =	srdreg.scid  }
0x8b: {  	s0 =	sand.u32 $0x1, s1  }
0x8c: {  	s16 =	sshll.u32 s0, $0xA;
	s2 =	sadd.s32 s3, s2  }
0x8d: {  	s2 =	sadd.s32 s2, s16  }
0x8e: {  	[smem:$0x3F4D] =	sst s2  }
0x8f: {  	_ = 	snop  }
0x90: {  	(tm) =	ssettm $0x1  }
0x91: {  	s17 =	sld [smem:$0x3FFB];
	_ =	sdelay $0x3  }
0x92: {  	_ =	strace s17  }
0x93: {  	s2 =	sld [smem:$0x3FFC];
	_ =	sdelay $0x3  }
0x94: {  	_ =	strace s2  }
0x95: {  	s2 =	sld [smem:$0x3FFD];
	_ =	sdelay $0x3  }
0x96: {  	_ =	strace s2  }
0x97: {  	_ =	strace $0x8FFFFFFF  }
0x98: {  	s18 =	sld [smem:$0x3FDB];
	_ =	sdelay $0x1  }
0x99: {  	s19 =	simm.s32 $_scs_section_size  }
0x9a: {  	s4 =	simm.s32 $_size__tile_overlayer_lowered;
	s5 =	simm.s32 $_tile_overlayer_lowered  }
0x9b: {  	s22 =	simm.s32 $0x1BFF;
	s21 =	sshll.u32 s5, $0x1;
	s2 =	sadd.s32 s19, s18  }
0x9c: {  	s6 =	simm.s32 $0x0;
	s20 =	sshll.u32 s4, $0x1;
	s4 =	sadd.s32 s21, s2  }
0x9d: {  	[timem:s6], [sflag:s22] =	dma.local [hbm:s4], s20  }
0x9e: {  	_ =	swait.ge [sflag:s22], s20  }
0x9f: {  	s3 =	ssub.s32 $0x0, s20;
	[sflag:s22] =	ssyncset.done $0x0  }
0xa0: {  	[sflag:s22] =	ssyncadd.s32 s3;
	_ =	sdelay $0x1  }
0xa1: {  	s23 =	simm.s32 $0x1B8B  }
0xa2: {  	_ =	swait.ge [sflag:s23], $0x1  }
0xa3: {  	[sflag:s23] =	ssyncset.done $0x0  }
0xa4: {  	s25 =	simm.s32 $0x1B8E;
	s24 =	sld [smem:$0x3FFE];
	[sflag:s23] =	ssyncadd.s32 $0xFFFFFFFF  }
0xa5: {  	s26 =	simm.s32 $execute0_lowered;
	[smem:$0x3FD2] =	sst s25  }
0xa6: {  	s4 =	sshll.u32 s26, $0x1;
	_ =	strace $0x80000046;
	[dreg:$0x1] =	wrdreg $0xFFFFFFFF  }
0xa7: {  	s28 =	simm.s32 $_size_execute0_lowered;
	s2 =	sadd.s32 s2, s4;
	[dreg:$0x0] =	wrdreg $0x0  }
0xa8: {  	s4 =	sshll.u32 s28, $0x1;
	[dreg:$0x2] =	wrdreg s2  }
0xa9: {  	[dreg:$0x3] =	wrdreg s4  }
0xaa: {  	[dreg:$0x4] =	wrdreg $0xC0  }
0xab: {  	_ =	task [dreg:s6], $0x5FFFF  }
0xac: {  	[dreg:$0x1] =	wrdreg $0xFFFFFFFF  }
0xad: {  	[dreg:$0x0] =	wrdreg $0x60  }
0xae: {  	[dreg:$0x2] =	wrdreg s24  }
0xaf: {  	[dreg:$0x3] =	wrdreg $0xA  }
0xb0: {  	_ =	task.clear_ibuf [dreg:s6], $0x4FFFF;
	_ =	strace $0x90000046  }
0xb1: {  	s29 =	simm.s32 $0xA;
	_ =	strace $0x80000048  }
0xb2: {  	_ =	swait.ge [sflag:s29], $0x1  }
0xb3: {  	[sflag:s29] =	ssyncadd.s32 $0xFFFFFFFF  }
0xb4: {  	_ =	strace $0x90000048  }
0xb5: {  	_ =	sfence  }
0xb6: {  	s30 =	sld [smem:$0x0];
	_ =	sdelay $0x2  }
0xb7: {  	s31 =	sshll.u32 s1, $0xD;
	s1 =	sshrl.u32 s1, $0x2  }
0xb8: {  	s3 =	sand.u32 $0x4000, s31;
	s1 =	sadd.s32 s1, s30  }
0xb9: {  	s0 =	sor.u32 s3, s0;
	s1 =	sshll.u32 s1, $0x11  }
0xba: {  	s0 =	sor.u32 s1, s0  }
0xbb: {  	s0 =	sadd.s32 $0x8F2B, s0  }
0xbc: {  	[sflag:s0] =	ssyncadd.remote.s32 $0x1  }
0xbd: {  	_ =	sfence.sel $0xFFFF  }
0xbe: {  	[dreg:$0x0] =	wrdreg $0xFFFFFFFF;
	(pc) =	sbr.abs _section_cstart, $3  }
0xbf: {  	[dreg:$0x1] =	wrdreg $0xFFFFFFFF  }
0xc0: {  	_ =	task.clear_ibuf [dreg:s6], $0x2FFFF;
	_ =	strace $0x9FFFFFFF  }
0xc1: {  	(tm) =	ssettm $0x7FFFFFFF  }
tec
execute0_lowered:
.L_overlay_start_1:
0x0: {  	(tag) =	ssettag $0x1  }
0x1: {  	s0 =	srdreg.scid;
	s5 =	rddreg [dreg:$0x0]  }
0x2: {  	s1 =	stileid.u32;
	s6 =	simm.s32 $0x1;
	s9 =	simm.s32 $0x1  }
0x3: {  	s10 =	simm.s32 $0x3;
	s13 =	simm.s32 $0x0;
	s2 =	sshll.u32 s0, $0x6  }
0x4: {  	s12 =	simm.s32 $0x0;
	s3 =	sshll.u32 s1, $0x7;
	s2 =	sand.u32 $0x40, s2  }
0x5: {  	s0 =	rddreg [dreg:$0x1];
	_ =	strace $0x80000047;
	s2 =	sor.u32 s3, s2  }
0x6: {  	s4 =	sadd.s32 $0x4000, s5;
	[sflag:s6] =	ssyncpa.u1 $0x0;
	s8 =	ssub.s32 $0x900, s2  }
.Ltmp0:
0x7: {  	s3 =	sadd.s32 $0x220200, s5;
	s7 =	sand.u32 $0x7C0, s8;
	(pc) =	sbr.rel .LBB2_1-.Ltmp0, $4  }
0x8: {  	s5 =	sadd.s32 $0x220600, s5;
	s11 =	smov.u32 s2;
	p0 =	sne.s32 s7, $0x0  }
0x9: {  	s8 =	sshrl.u32 s8, $0xB;
	s7 =	simm.s32 $0x2;
	s9 =	simm.s32 @!p0 $0x0  }
0xa: {  	[sflag:s7] =	ssyncpa.u1 $0x0;
	p0 =	por $0x0, $0x0;
	s8 =	sadd.s32 s9, s8  }
0xb: {  	vm0 =	vmmov $0xffff;
	[sflag:s10] =	ssyncpa.u1 $0x0;
	s10 =	simm.s32 $0x0;
	s9 =	sadd.s32 $0x1, s8  }
.LBB2_4:
0xc: {  	v3 =	vand.u32 $0x7, v0;
	v62 =	vshrl.u32 v0, $0x3  }
0xd: {  	v3 =	vsel vm1, $0xFFFFFFFF, v3;
	v0 =	vand.u32 $0x3FF, v62  }
0xe: {  	v0 =	vsel vm1, $0xFFFFFFFF, v0;
	v4 =	vshrl.u32 v3, $0x3  }
0xf: {  	v4 =	vmul.u32 $0x1400, v4;
	v5 =	vshll.u32 v0, $0x3  }
0x10: {  	v3 =	vshll.u32 v3, $0x7;
	v5 =	vand.u32 $0xFFFFFC00, v5  }
0x11: {  	v1 =	vor.u32 v1, v2;
	v3 =	vand.u32 $0x380, v3;
	v63 =	vadd.s32 v4, v5  }
0x12: {  	v0 =	vand.u32 $0x7F, v0;
	v2 =	vor.u32 v3, v63  }
0x13: {  	v0 =	vor.u32 v0, v2;
	_ =	sdelay $0x1  }
0x14: {  	(ifvalue) =	ssetifvalue $0x7FFFFFFF;
	s15 =	sadd.s32 $0x10, s15  }
0x15: {  	[tilespmem:s15], [sflag:$0x1] =	stream.indirect_vreg.gather [hbm4b:s3+s10], $0x1, v1, vm0, $0x4038;
	[tilespmem:$0x100] =	vst v63  }
0x16: {  	(ifvalue) =	ssetifvalue $0x7FFFFFFF;
	s15 =	sadd.s32 $0x10, s15  }
0x17: {  	[tilespmem:s15], [sflag:$0x1] =	stream.indirect_vreg.gather [hbm4b:s3+s10], $0x1, v0, vm0, $0x4038;
	[tilespmem:$0x100] =	vst v63  }
0x18: {  	_ =	swait.ge [sflag:s6], $0x40  }
0x19: {  	s30 =	sshrl.u32 s13, $0x3;
	[sflag:s6] =	ssyncset.done $0x0  }
0x1a: {  	s31 =	sand.u32 $0x7, s13;
	s15 =	sadd.s32 s5, s30;
	[sflag:s6] =	ssyncadd.s32 $0xFFFFFFC0  }
0x1b: {  	[hbm4b:s15+s31] =	stream.linear.scatter [tilespmem:s14], [sflag:$0x3], $0x40, $0x38;
	[tilespmem:$0x100] =	vst v63  }
.LBB2_5:
0x1c: {  	s15 =	sadd.s32 $0x800, s11  }
0x1d: {  	p2 =	sgt.s32 s15, $0x8FF  }
0x1e: {  	s15 =	smov.u32 @p2 s2;
	p2 =	sne.s32 s12, s9  }
.Ltmp1:
0x1f: {  	p1 =	slt.u32 s12, $0x2;
	(pc) =	sbr.rel @!p2 .LBB2_6-.Ltmp1, $4  }
0x20: {  	s14 =	simm.s32 @!p1 $0x3  }
0x21: {  	s16 =	sadd.s32 $0x1, s12;
	_ =	swait.ge @!p1 [sflag:s14], $0x40  }
0x22: {  	s13 =	smov.u32 s11;
	p0 =	por !p0, !p0;
	[sflag:s14] =	ssyncset.done @!p1 $0x0  }
0x23: {  	s12 =	smov.u32 s16;
	s11 =	smov.u32 s15;
	[sflag:s14] =	ssyncadd.s32 @!p1 $0xFFFFFFC0  }
.LBB2_1:
0x24: {  	p1 =	sge.u32 s12, s8  }
0x25: {  	s14 =	sxor.u32 @!p1 $0xFFFFFFFF, s12  }
0x26: {  	s31 =	sadd.s32 $0xFFFFFFFF, s12;
	s15 =	sshrl.u32 @!p1 s11, $0x3;
	s14 =	sshll.u32 @!p1 s14, $0x6  }
0x27: {  	s16 =	sand.u32 @!p1 $0x7, s11;
	s15 =	sadd.s32 @!p1 s4, s15;
	s14 =	sand.u32 @!p1 $0x40, s14  }
0x28: {  	[tilespmem:s14], [sflag:$0x2] =	stream.linear.gather @!p1 [hbm4b:s15+s16], $0x40, $0x38;
	[tilespmem:$0x100] =	vst v63  }
0x29: {  	p1 =	sge.u32 s31, s8  }
.Ltmp2:
0x2a: {  	_ = 	snop;
	(pc) =	sbr.rel @p1 .LBB2_5-.Ltmp2, $1  }
0x2b: {  	_ =	sdelay $0x3  }
0x2c: {  	s14 =	simm.s32 $0x1  }
0x2d: {  	_ =	swait.ge [sflag:s7], $0x40;
	s14 =	simm.s32 @!p0 $0x0  }
0x2e: {  	[sflag:s7] =	ssyncset.done $0x0;
	s14 =	sshll.u32 s14, $0x6  }
0x2f: {  	[sflag:s7] =	ssyncadd.s32 $0xFFFFFFC0;
	(ifvalue) =	ssetifvalue $0x7FFFFFFF;
	v0 =	vld.msk [tilespmem:s14+$0x0 ss:$0x1], $0xffff;
	_ =	sdelay $0x2  }
0x30: {  	s15 =	sadd.s32 $0x10, s14  }
0x31: {  	v3 =	vld.msk [tilespmem:s15+$0x0 ss:$0x1], $0xffff  }
0x32: {  	vm1 =	veq.s32 v0, $0x80000000;
	v1 =	vand.u32 $0x7, v0;
	v0 =	vshrl.u32 v0, $0x3  }
0x33: {  	v1 =	vsel vm1, $0xFFFFFFFF, v1;
	v0 =	vand.u32 $0x3FF, v0  }
0x34: {  	v0 =	vsel vm1, $0xFFFFFFFF, v0;
	v2 =	vshrl.u32 v1, $0x3  }
0x35: {  	v2 =	vmul.u32 $0x1400, v2;
	v4 =	vshll.u32 v0, $0x3  }
0x36: {  	v1 =	vshll.u32 v1, $0x7;
	vm1 =	veq.s32 v3, $0x80000000;
	v4 =	vand.u32 $0xFFFFFC00, v4  }
0x37: {  	v1 =	vand.u32 $0x380, v1;
	v0 =	vand.u32 $0x7F, v0;
	v2 =	vadd.s32 v2, v4  }
0x38: {  	s17 =	sadd.s32 $0x10, s15;
	v1 =	vor.u32 v1, v2;
	v2 =	vand.u32 $0x7, v3;
	v3 =	vshrl.u32 v3, $0x3  }
0x39: {  	v1 =	vor.u32 v0, v1;
	v0 =	vld.msk [tilespmem:s17+$0x0 ss:$0x1], $0xffff;
	v2 =	vsel vm1, $0xFFFFFFFF, v2;
	v3 =	vand.u32 $0x3FF, v3  }
0x3a: {  	v3 =	vsel vm1, $0xFFFFFFFF, v3;
	v63 =	vshrl.u32 v2, $0x3  }
0x3b: {  	s31 =	sshll.u32 s12, $0x6;
	v4 =	vmul.u32 $0x1400, v63;
	v5 =	vshll.u32 v3, $0x3  }
0x3c: {  	s16 =	simm.s32 $0x20;
	s15 =	sor.u32 $0x80, s14;
	s14 =	sand.u32 $0x40, s31;
	v2 =	vshll.u32 v2, $0x7;
	v5 =	vand.u32 $0xFFFFFC00, v5  }
0x3d: {  	s14 =	sor.u32 $0x80, s14;
	(ifvalue) =	ssetifvalue $0x7FFFFFFF;
	s17 =	sadd.s32 $0x10, s17;
	v2 =	vand.u32 $0x380, v2;
	v4 =	vadd.s32 v4, v5  }
0x3e: {  	[tilespmem:s15], [sflag:$0x1] =	stream.indirect_vreg.gather [hbm4b:s3+s10], $0x1, v1, vm0, $0x4038;
	vm1 =	veq.s32 v0, $0x80000000;
	v1 =	vand.u32 $0x7F, v3;
	v2 =	vor.u32 v2, v4;
	[tilespmem:$0x100] =	vst v63  }
.LBB2_3:
0x3f: {  	v3 =	vand.u32 $0x7, v0;
	v4 =	vshrl.u32 v0, $0x3;
	v0 =	vld.msk [tilespmem:s17+$0x0 ss:$0x1], $0xffff;
	v1 =	vor.u32 v1, v2;
	s16 =	sadd.s32 $0x10, s16  }
0x40: {  	v2 =	vsel vm1, $0xFFFFFFFF, v3;
	v3 =	vand.u32 $0x3FF, v4;
	p1 =	slt.u32 s16, $0x30  }
.Ltmp3:
0x41: {  	v3 =	vsel vm1, $0xFFFFFFFF, v3;
	v4 =	vshrl.u32 v2, $0x3;
	(pc) =	sbr.rel @p1 .LBB2_3-.Ltmp3, $4  }
0x42: {  	v4 =	vmul.u32 $0x1400, v4;
	v5 =	vshll.u32 v3, $0x3  }
0x43: {  	s15 =	sadd.s32 $0x10, s15;
	v2 =	vshll.u32 v2, $0x7;
	v5 =	vand.u32 $0xFFFFFC00, v5;
	(ifvalue) =	ssetifvalue $0x7FFFFFFF  }
0x44: {  	v2 =	vand.u32 $0x380, v2;
	v4 =	vadd.s32 v4, v5;
	[tilespmem:s15], [sflag:$0x1] =	stream.indirect_vreg.gather [hbm4b:s3+s10], $0x1, v1, vm0, $0x4038;
	[tilespmem:$0x100] =	vst v63  }
0x45: {  	s17 =	sadd.s32 $0x10, s17;
	vm1 =	veq.s32 v0, $0x80000000;
	v1 =	vand.u32 $0x7F, v3;
	v2 =	vor.u32 v2, v4  }
.Ltmp4:
0x46: {  	_ = 	snop;
	(pc) =	sbr.rel .LBB2_4-.Ltmp4, $1  }
0x47: {  	_ =	sdelay $0x3  }
.LBB2_6:
0x48: {  	_ =	sfence.sel $0x180000  }
0x49: {  	s2 =	simm.s32 $0x2;
	[bflag:$0x0] =	sbarrier.arrive $0xFFFF  }
0x4a: {  	s30 =	simm.s32 $0x3;
	[sflag:s2] =	ssyncpa.u1 $0x1  }
0x4b: {  	s31 =	simm.s32 $0x1;
	[sflag:s30] =	ssyncpa.u1 $0x1  }
0x4c: {  	[sflag:s31] =	ssyncpa.u1 $0x1  }
0x4d: {  	p0 =	sne.s32 s1, $0x0;
	_ =	strace $0x90000047  }
0x4e: {  	s0 =	sadd.s32 @!p0 $0x100000, s0;
	[bflag:$0x2] =	sbarrier.arrive $0xFFFF  }
0x4f: {  	[sflag:s0] =	ssyncadd.tile.s32 @!p0 $0x1;
	_ =	shalt  }
.Lfunc_end2:
_tile_overlayer_lowered:
.L_overlay_start_2:
0x50: {  	(tag) =	ssettag $0x2  }
0x51: {  	s0 =	rddreg [dreg:$0x0];
	s2 =	stileid.u32  }
0x52: {  	s1 =	rddreg [dreg:$0x1];
	p0 =	sne.s32 s2, $0x0  }
0x53: {  	s3 =	rddreg [dreg:$0x2];
	[bflag:$0x3] =	sbarrier.arrive $0xFFFF;
	s2 =	simm.s32 @!p0 $0x1C01  }
0x54: {  	[timem:s3], [sflag:s2] =	dma.local @!p0 [hbm:s0], s1  }
0x55: {  	s0 =	simm.s32 @!p0 $0x1  }
0x56: {  	_ =	swait.ge @!p0 [sflag:s0], s1  }
0x57: {  	s1 =	ssub.s32 @!p0 $0x0, s1;
	[sflag:s0] =	ssyncset.done @!p0 $0x0  }
0x58: {  	[sflag:s0] =	ssyncadd.s32 @!p0 s1  }
0x59: {  	[bflag:$0x3] =	sbarrier.arrive $0xFFFF  }
0x5a: {  	_ =	shalt  }

// kernel: gather_offload_async_start.2
scs
__scs_entry_jumppad:
0x0: {  	(pc) =	sbr.rel $0x88, $3  }
0x1: {  	(tag) =	ssettag $0x0;
	lr =	simm.s32 $0x1  }
0x2: {  	[smem:$0x3F26] =	sst lr;
	_ =	strace $0xD0000000  }
0x3: {  	_ = 	snop  }
0x4: {  	_ = 	snop  }
0x5: {  	_ = 	snop  }
0x6: {  	_ = 	snop  }
0x7: {  	_ = 	snop  }
__scs_overlays_trampoline_lowered:
0x8: {  	[smem:$0x3F35] =	sst s0  }
0x9: {  	[smem:$0x3F36] =	sst s1  }
0xa: {  	[smem:$0x3F37] =	sst s2  }
0xb: {  	[smem:$0x3F38] =	sst s3  }
0xc: {  	[smem:$0x3F39] =	sst s4  }
0xd: {  	[smem:$0x3F3A] =	sst s5  }
0xe: {  	[smem:$0x3F3B] =	sst s6  }
0xf: {  	[smem:$0x3F3C] =	sst s7  }
0x10: {  	[smem:$0x3F3D] =	sst s8  }
0x11: {  	[smem:$0x3F3E] =	sst s9;
	s0 =	simm.s32 @!p0 $0x0  }
0x12: {  	s1 =	sld [smem:$0x3F24];
	s0 =	simm.s32 @p0 $0x1  }
0x13: {  	[smem:$0x3F3F] =	sst s0;
	s0 =	simm.s32 @!p1 $0x0  }
0x14: {  	s2 =	sld [smem:$0x3F23];
	s0 =	simm.s32 @p1 $0x1  }
0x15: {  	[smem:$0x3F40] =	sst s0;
	s0 =	simm.s32 @!p2 $0x0  }
0x16: {  	s3 =	sld [smem:$0x3FDB];
	s0 =	simm.s32 @p2 $0x1  }
0x17: {  	s4 =	simm.s32 $0x1BF5;
	[smem:$0x3F42] =	sst s0  }
0x18: {  	s0 =	sld [smem:$0x3F25];
	_ =	swait.ge [sflag:s4], $0x0  }
0x19: {  	s7 =	sld [smem:$0x3F26]  }
0x1a: {  	s8 =	sadd.s32 $0xFFFFE003, lr  }
0x1b: {  	s9 =	sadd.s32 $0xFFFFFEF7, lr;
	s5 =	simm.s32 $0xFFFFFFFF;
	p2 =	slt.u32 s8, $0xFFFFF086  }
0x1c: {  	p1 =	slt.u32 s9, $0xF7A;
	s5 =	simm.s32 @!p2 $0x0  }
0x1d: {  	s5 =	simm.s32 @p1 $0x1;
	p0 =	seq.s32 s7, s2  }
0x1e: {  	s7 =	smul.u32 @!p0 $0xF7A, s2;
	p2 =	seq.s32 @!p0 s5, $0x0  }
0x1f: {  	s9 =	smul.u32 $0xF7A, s1;
	s8 =	simm.s32 @!p0 $0x1BF5;
	p2 =	por !p2, p0  }
0x20: {  	[sflag:s8] =	ssyncset.s32 @!p0 $0xFFFFF086;
	s6 =	sadd.s32 @!p0 s3, s7;
	s7 =	simm.s32 @!p0 $0x108  }
0x21: {  	s3 =	sadd.s32 s3, s9;
	s6 =	sadd.s32 @!p0 $0x88, s6;
	s7 =	simm.s32 @p2 $0x1082  }
0x22: {  	[simem:s7], [sflag:s8] =	dma.local @!p0 [hbm:s6], $0xF7A  }
0x23: {  	s9 =	sor.u32 $0xD0000000, s2;
	s6 =	simm.s32 $0x108;
	_ =	swait.ge @!p0 [sflag:s8], $0x0  }
0x24: {  	s3 =	sadd.s32 $0x88, s3;
	s6 =	simm.s32 @!p1 $0x1082;
	[sflag:s4] =	ssyncset.s32 $0xFFFFF086  }
0x25: {  	[simem:s6], [sflag:s4] =	dma.local [hbm:s3], $0xF7A  }
0x26: {  	[smem:$0x3F26] =	sst s1;
	(tag) =	ssettag s2;
	_ =	strace s9  }
0x27: {  	s1 =	sld [smem:$0x3F36]  }
0x28: {  	s2 =	sld [smem:$0x3F37]  }
0x29: {  	s4 =	sld [smem:$0x3F39]  }
0x2a: {  	p0 =	seq.s32 s5, $0x0;
	s5 =	sld [smem:$0x3F3A]  }
0x2b: {  	s6 =	sld [smem:$0x3F3B]  }
0x2c: {  	s7 =	sld [smem:$0x3F3C]  }
0x2d: {  	s3 =	simm.s32 $0x108;
	s8 =	sld [smem:$0x3F3D]  }
0x2e: {  	s3 =	simm.s32 @!p0 $0x1082;
	s9 =	sld [smem:$0x3F3E]  }
0x2f: {  	lr =	sadd.s32 s0, s3;
	s0 =	sld [smem:$0x3F35]  }
0x30: {  	s3 =	sld [smem:$0x3F38]  }
0x31: {  	[smem:$0x3F41] =	sst s10  }
0x32: {  	s10 =	sld [smem:$0x3F3F];
	_ =	sdelay $0x3  }
0x33: {  	p0 =	seq.s32 s10, $0x1;
	s10 =	sld [smem:$0x3F41];
	_ =	sdelay $0x3  }
0x34: {  	[smem:$0x3F41] =	sst s10  }
0x35: {  	s10 =	sld [smem:$0x3F40];
	_ =	sdelay $0x3  }
0x36: {  	p1 =	seq.s32 s10, $0x1;
	s10 =	sld [smem:$0x3F41];
	_ =	sdelay $0x3  }
0x37: {  	[smem:$0x3F41] =	sst s10  }
0x38: {  	s10 =	sld [smem:$0x3F42]  }
0x39: {  	_ = 	snop;
	(pc) =	sbr.ind lr, $3  }
0x3a: {  	_ = 	snop  }
0x3b: {  	_ = 	snop  }
0x3c: {  	p2 =	seq.s32 s10, $0x1;
	s10 =	sld [smem:$0x3F41]  }
0x3d: {  	_ =	shalt  }
0x3e: {  	_ =	shalt  }
0x3f: {  	_ =	shalt  }
0x40: {  	_ =	shalt  }
0x41: {  	_ =	shalt  }
0x42: {  	_ =	shalt  }
0x43: {  	_ =	shalt  }
0x44: {  	_ =	shalt  }
0x45: {  	_ =	shalt  }
0x46: {  	_ =	shalt  }
0x47: {  	_ =	shalt  }
0x48: {  	_ =	shalt  }
0x49: {  	_ =	shalt  }
0x4a: {  	_ =	shalt  }
0x4b: {  	_ =	shalt  }
0x4c: {  	_ =	shalt  }
0x4d: {  	_ =	shalt  }
0x4e: {  	_ =	shalt  }
0x4f: {  	_ =	shalt  }
0x50: {  	_ =	shalt  }
0x51: {  	_ =	shalt  }
0x52: {  	_ =	shalt  }
0x53: {  	_ =	shalt  }
0x54: {  	_ =	shalt  }
0x55: {  	_ =	shalt  }
0x56: {  	_ =	shalt  }
0x57: {  	_ =	shalt  }
0x58: {  	_ =	shalt  }
0x59: {  	_ =	shalt  }
0x5a: {  	_ =	shalt  }
0x5b: {  	_ =	shalt  }
0x5c: {  	_ =	shalt  }
0x5d: {  	_ =	shalt  }
0x5e: {  	_ =	shalt  }
0x5f: {  	_ =	shalt  }
0x60: {  	_ =	shalt  }
0x61: {  	_ =	shalt  }
0x62: {  	_ =	shalt  }
0x63: {  	_ =	shalt  }
0x64: {  	_ =	shalt  }
0x65: {  	_ =	shalt  }
0x66: {  	_ =	shalt  }
0x67: {  	_ =	shalt  }
0x68: {  	_ =	shalt  }
0x69: {  	_ =	shalt  }
0x6a: {  	_ =	shalt  }
0x6b: {  	_ =	shalt  }
0x6c: {  	_ =	shalt  }
0x6d: {  	_ =	shalt  }
0x6e: {  	_ =	shalt  }
0x6f: {  	_ =	shalt  }
0x70: {  	_ =	shalt  }
0x71: {  	_ =	shalt  }
0x72: {  	_ =	shalt  }
0x73: {  	_ =	shalt  }
0x74: {  	_ =	shalt  }
0x75: {  	_ =	shalt  }
0x76: {  	_ =	shalt  }
0x77: {  	_ =	shalt  }
0x78: {  	_ =	shalt  }
0x79: {  	_ =	shalt  }
0x7a: {  	_ =	shalt  }
0x7b: {  	_ =	shalt  }
0x7c: {  	_ =	shalt  }
0x7d: {  	_ =	shalt  }
0x7e: {  	_ =	shalt  }
0x7f: {  	_ =	shalt  }
0x80: {  	_ =	shalt  }
0x81: {  	_ =	shalt  }
0x82: {  	_ =	shalt  }
0x83: {  	_ =	shalt  }
0x84: {  	_ =	shalt  }
0x85: {  	_ =	shalt  }
0x86: {  	_ =	shalt  }
0x87: {  	_ =	shalt  }
.Lfunc_end0:
.L_simem_size_0:
called_computation.2_lowered:
.L_overlay_start_0:
0x88: {  	s2 =	sld [smem:$0x3FD9]  }
0x89: {  	s3 =	sld [smem:$0x3FFE];
	_ =	sdelay $0x1  }
0x8a: {  	s1 =	srdreg.scid  }
0x8b: {  	s0 =	sand.u32 $0x1, s1  }
0x8c: {  	s17 =	sshll.u32 s0, $0xA;
	s2 =	sadd.s32 s3, s2  }
0x8d: {  	s2 =	sadd.s32 s2, s17  }
0x8e: {  	[smem:$0x3F4D] =	sst s2  }
0x8f: {  	_ = 	snop  }
0x90: {  	s2 =	sld [smem:$0x3FD0];
	(tm) =	ssettm $0x1  }
0x91: {  	s18 =	sld [smem:$0x3FFB];
	_ =	sdelay $0x3  }
0x92: {  	_ =	strace s18  }
0x93: {  	s3 =	sld [smem:$0x3FFC];
	_ =	sdelay $0x3  }
0x94: {  	_ =	strace s3  }
0x95: {  	s3 =	sld [smem:$0x3FFD];
	_ =	sdelay $0x3  }
0x96: {  	_ =	strace s3  }
0x97: {  	_ =	strace $0x8FFFFFFF  }
0x98: {  	s19 =	sld [smem:$0x3FDB];
	_ =	sdelay $0x1  }
0x99: {  	s4 =	simm.s32 $_scs_section_size  }
0x9a: {  	s5 =	simm.s32 $_size__tile_overlayer_lowered;
	s6 =	simm.s32 $_tile_overlayer_lowered  }
0x9b: {  	s22 =	simm.s32 $0x1BFF;
	s21 =	sshll.u32 s6, $0x1;
	s3 =	sadd.s32 s4, s19  }
0x9c: {  	s7 =	simm.s32 $0x0;
	s20 =	sshll.u32 s5, $0x1;
	s5 =	sadd.s32 s21, s3  }
0x9d: {  	[timem:s7], [sflag:s22] =	dma.local [hbm:s5], s20  }
0x9e: {  	_ =	swait.ge [sflag:s22], s20  }
0x9f: {  	s4 =	ssub.s32 $0x0, s20;
	[sflag:s22] =	ssyncset.done $0x0  }
0xa0: {  	[sflag:s22] =	ssyncadd.s32 s4;
	_ =	sdelay $0x1  }
0xa1: {  	s23 =	simm.s32 $0x1B8B  }
0xa2: {  	_ =	swait.ge [sflag:s23], $0x1  }
0xa3: {  	[sflag:s23] =	ssyncset.done $0x0  }
0xa4: {  	s25 =	simm.s32 $0x1B8E;
	s24 =	sld [smem:$0x3FFE];
	[sflag:s23] =	ssyncadd.s32 $0xFFFFFFFF  }
0xa5: {  	s26 =	simm.s32 $execute0_lowered;
	[smem:$0x3FD2] =	sst s25  }
0xa6: {  	s5 =	sshll.u32 s26, $0x1;
	_ =	strace $0x8000004C;
	[dreg:$0x1] =	wrdreg $0xFFFFFFFF  }
0xa7: {  	s28 =	simm.s32 $_size_execute0_lowered;
	s3 =	sadd.s32 s3, s5;
	[dreg:$0x0] =	wrdreg $0x0  }
0xa8: {  	s5 =	sshll.u32 s28, $0x1;
	[dreg:$0x2] =	wrdreg s3  }
0xa9: {  	[dreg:$0x3] =	wrdreg s5  }
0xaa: {  	[dreg:$0x4] =	wrdreg $0xC0  }
0xab: {  	_ =	task [dreg:s7], $0x5FFFF  }
0xac: {  	[dreg:$0x1] =	wrdreg $0xFFFFFFFF  }
0xad: {  	[dreg:$0x0] =	wrdreg $0x60  }
0xae: {  	[dreg:$0x2] =	wrdreg s24  }
0xaf: {  	[dreg:$0x3] =	wrdreg s2  }
0xb0: {  	[dreg:$0x4] =	wrdreg $0x9  }
0xb1: {  	_ =	task.clear_ibuf [dreg:s7], $0x5FFFF;
	_ =	strace $0x9000004C  }
0xb2: {  	s29 =	simm.s32 $0x9;
	_ =	strace $0x8000004E  }
0xb3: {  	_ =	swait.ge [sflag:s29], $0x1  }
0xb4: {  	[sflag:s29] =	ssyncadd.s32 $0xFFFFFFFF  }
0xb5: {  	_ =	strace $0x9000004E  }
0xb6: {  	_ =	sfence  }
0xb7: {  	s30 =	sld [smem:$0x0];
	_ =	sdelay $0x2  }
0xb8: {  	s31 =	sshll.u32 s1, $0xD;
	s1 =	sshrl.u32 s1, $0x2  }
0xb9: {  	s3 =	sand.u32 $0x4000, s31;
	s1 =	sadd.s32 s1, s30  }
0xba: {  	s0 =	sor.u32 s3, s0;
	s1 =	sshll.u32 s1, $0x11  }
0xbb: {  	s0 =	sor.u32 s1, s0  }
0xbc: {  	s0 =	sadd.s32 $0x8F2B, s0  }
0xbd: {  	[sflag:s0] =	ssyncadd.remote.s32 $0x1  }
0xbe: {  	_ =	sfence.sel $0xFFFF  }
0xbf: {  	[dreg:$0x0] =	wrdreg $0xFFFFFFFF;
	(pc) =	sbr.abs _section_cstart, $3  }
0xc0: {  	[dreg:$0x1] =	wrdreg $0xFFFFFFFF  }
0xc1: {  	_ =	task.clear_ibuf [dreg:s7], $0x2FFFF;
	_ =	strace $0x9FFFFFFF  }
0xc2: {  	(tm) =	ssettm $0x7FFFFFFF  }
0xc3: {  	_ =	shalt  }
tec
execute0_lowered:
.L_overlay_start_1:
0x0: {  	(tag) =	ssettag $0x1  }
0x1: {  	s1 =	srdreg.scid;
	s8 =	rddreg [dreg:$0x0]  }
0x2: {  	s0 =	stileid.u32;
	s2 =	rddreg [dreg:$0x1]  }
0x3: {  	s5 =	simm.s32 $0x1;
	s9 =	simm.s32 $0x1;
	s1 =	sshll.u32 s1, $0x5  }
0x4: {  	s10 =	simm.s32 $0x3;
	s3 =	sshll.u32 s0, $0x6;
	s4 =	sand.u32 $0x20, s1  }
0x5: {  	s13 =	simm.s32 $0x0;
	s12 =	simm.s32 $0x0;
	s3 =	sor.u32 s3, s4  }
0x6: {  	s1 =	rddreg [dreg:$0x2];
	_ =	strace $0x8000004D;
	s7 =	ssub.s32 $0x480, s3  }
.Ltmp0:
0x7: {  	s4 =	sadd.s32 $0x3E00, s8;
	s6 =	sand.u32 $0x3E0, s7;
	(pc) =	sbr.rel .LBB2_1-.Ltmp0, $4  }
0x8: {  	[sflag:s5] =	ssyncpa.u1 $0x0;
	s8 =	sadd.s32 $0x148200, s8;
	p0 =	sne.s32 s6, $0x0  }
0x9: {  	s7 =	sshrl.u32 s7, $0xA;
	s6 =	simm.s32 $0x2;
	s9 =	simm.s32 @!p0 $0x0  }
0xa: {  	s11 =	smov.u32 s3;
	[sflag:s6] =	ssyncpa.u1 $0x0;
	s7 =	sadd.s32 s9, s7  }
0xb: {  	vm0 =	vmmov $0xffff;
	[sflag:s10] =	ssyncpa.u1 $0x0;
	s10 =	simm.s32 $0x0;
	s9 =	sadd.s32 $0x1, s7  }
.LBB2_5:
0xc: {  	s15 =	sadd.s32 $0x400, s11  }
0xd: {  	p1 =	sgt.s32 s15, $0x47F  }
0xe: {  	s15 =	smov.u32 @p1 s3;
	p1 =	sne.s32 s12, s9  }
.Ltmp1:
0xf: {  	p0 =	slt.u32 s12, $0x2;
	(pc) =	sbr.rel @!p1 .LBB2_6-.Ltmp1, $4  }
0x10: {  	s14 =	simm.s32 @!p0 $0x3  }
0x11: {  	_ =	swait.ge @!p0 [sflag:s14], $0x20  }
0x12: {  	s16 =	sadd.s32 $0x1, s12;
	s13 =	smov.u32 s11;
	[sflag:s14] =	ssyncset.done @!p0 $0x0  }
0x13: {  	s12 =	smov.u32 s16;
	s11 =	smov.u32 s15;
	[sflag:s14] =	ssyncadd.s32 @!p0 $0xFFFFFFE0  }
.LBB2_1:
0x14: {  	p0 =	sge.u32 s12, s7  }
0x15: {  	s14 =	sxor.u32 @!p0 $0xFFFFFFFF, s12  }
0x16: {  	s31 =	sadd.s32 $0xFFFFFFFF, s12;
	s15 =	sshrl.u32 @!p0 s11, $0x3;
	s14 =	sshll.u32 @!p0 s14, $0x5  }
0x17: {  	s16 =	sand.u32 @!p0 $0x7, s11;
	s15 =	sadd.s32 @!p0 s8, s15;
	s14 =	sand.u32 @!p0 $0x20, s14  }
0x18: {  	[tilespmem:s14], [sflag:$0x2] =	stream.linear.gather @!p0 [hbm4b:s15+s16], $0x20, $0x38;
	[tilespmem:$0x80] =	vst v63  }
0x19: {  	p0 =	sge.u32 s31, s7  }
.Ltmp2:
0x1a: {  	_ = 	snop;
	(pc) =	sbr.rel @p0 .LBB2_5-.Ltmp2, $1  }
0x1b: {  	_ =	sdelay $0x3  }
0x1c: {  	_ =	swait.ge [sflag:s6], $0x20;
	s14 =	sshll.u32 s12, $0x5;
	s16 =	simm.s32 $0x0  }
0x1d: {  	p0 =	por $0x1, $0x1;
	[sflag:s6] =	ssyncset.done $0x0;
	s15 =	sand.u32 $0x20, s14  }
0x1e: {  	[sflag:s6] =	ssyncadd.s32 $0xFFFFFFE0;
	(ifvalue) =	ssetifvalue $0x7FFFFFFF;
	s14 =	sor.u32 $0x40, s15  }
.LBB2_3:
0x1f: {  	s17 =	sadd.s32 s16, s15  }
0x20: {  	v0 =	vld.msk [tilespmem:s17+$0x0 ss:$0x1], $0xffff;
	_ =	sdelay $0x4  }
0x21: {  	vm1 =	veq.s32 v0, $0x80000000;
	v1 =	vand.u32 $0x7, v0;
	v0 =	vshrl.u32 v0, $0x3  }
0x22: {  	v1 =	vsel vm1, $0xFFFFFFFF, v1;
	v0 =	vand.u32 $0x1FF, v0  }
0x23: {  	v0 =	vsel vm1, $0xFFFFFFFF, v0;
	v2 =	vshrl.u32 v1, $0x3  }
0x24: {  	v2 =	vmul.u32 $0xC00, v2;
	v3 =	vshll.u32 v0, $0x3  }
0x25: {  	v1 =	vshll.u32 v1, $0x7;
	v3 =	vand.u32 $0xFFFFFC00, v3  }
0x26: {  	v1 =	vand.u32 $0x380, v1;
	v2 =	vadd.s32 v2, v3  }
0x27: {  	v0 =	vand.u32 $0x7F, v0;
	v1 =	vor.u32 v1, v2  }
0x28: {  	p1 =	por p0, p0;
	v0 =	vor.u32 v0, v1  }
.Ltmp3:
0x29: {  	_ = 	snop;
	(pc) =	sbr.rel @p1 .LBB2_3-.Ltmp3, $4  }
0x2a: {  	_ = 	snop  }
0x2b: {  	s31 =	sadd.s32 s16, s14  }
0x2c: {  	s16 =	simm.s32 $0x10;
	p0 =	por $0x0, $0x0;
	(ifvalue) =	ssetifvalue $0x7FFFFFFF  }
0x2d: {  	[tilespmem:s31], [sflag:$0x1] =	stream.indirect_vreg.gather [hbm4b:s4+s10], $0x1, v0, vm0, $0x4038;
	[tilespmem:$0x80] =	vst v63  }
.Ltmp4:
0x2e: {  	(pc) =	sbr.rel .LBB2_5-.Ltmp4, $4  }
0x2f: {  	_ =	swait.ge [sflag:s5], $0x20  }
0x30: {  	s15 =	sshrl.u32 s13, $0x3;
	[sflag:s5] =	ssyncset.done $0x0  }
0x31: {  	s31 =	sand.u32 $0x7, s13;
	s15 =	sadd.s32 s2, s15;
	[sflag:s5] =	ssyncadd.s32 $0xFFFFFFE0  }
0x32: {  	[hbm4b:s15+s31] =	stream.linear.scatter [tilespmem:s14], [sflag:$0x3], $0x20, $0x38;
	[tilespmem:$0x80] =	vst v63  }
.LBB2_6:
0x33: {  	_ =	sfence.sel $0x180000  }
0x34: {  	s2 =	simm.s32 $0x2;
	[bflag:$0x0] =	sbarrier.arrive $0xFFFF  }
0x35: {  	s30 =	simm.s32 $0x3;
	[sflag:s2] =	ssyncpa.u1 $0x1  }
0x36: {  	s31 =	simm.s32 $0x1;
	[sflag:s30] =	ssyncpa.u1 $0x1  }
0x37: {  	[sflag:s31] =	ssyncpa.u1 $0x1  }
0x38: {  	p0 =	sne.s32 s0, $0x0;
	_ =	strace $0x9000004D  }
0x39: {  	s0 =	sadd.s32 @!p0 $0x100000, s1;
	[bflag:$0x2] =	sbarrier.arrive $0xFFFF  }
0x3a: {  	[sflag:s0] =	ssyncadd.tile.s32 @!p0 $0x1;
	_ =	shalt  }
.Lfunc_end2:
_tile_overlayer_lowered:
.L_overlay_start_2:
0x3b: {  	(tag) =	ssettag $0x2  }
0x3c: {  	s0 =	rddreg [dreg:$0x0];
	s2 =	stileid.u32  }
0x3d: {  	s1 =	rddreg [dreg:$0x1];
	p0 =	sne.s32 s2, $0x0  }
0x3e: {  	s3 =	rddreg [dreg:$0x2];
	[bflag:$0x3] =	sbarrier.arrive $0xFFFF;
	s2 =	simm.s32 @!p0 $0x1C01  }
0x3f: {  	[timem:s3], [sflag:s2] =	dma.local @!p0 [hbm:s0], s1  }
0x40: {  	s0 =	simm.s32 @!p0 $0x1  }
0x41: {  	_ =	swait.ge @!p0 [sflag:s0], s1  }
0x42: {  	s1 =	ssub.s32 @!p0 $0x0, s1;
	[sflag:s0] =	ssyncset.done @!p0 $0x0  }
0x43: {  	[sflag:s0] =	ssyncadd.s32 @!p0 s1  }
0x44: {  	[bflag:$0x3] =	sbarrier.arrive $0xFFFF  }
0x45: {  	_ =	shalt  }

// kernel: gather_offload_async_start.3
scs
__scs_entry_jumppad:
0x0: {  	(pc) =	sbr.rel $0x88, $3  }
0x1: {  	(tag) =	ssettag $0x0;
	lr =	simm.s32 $0x1  }
0x2: {  	[smem:$0x3F26] =	sst lr;
	_ =	strace $0xD0000000  }
0x3: {  	_ = 	snop  }
0x4: {  	_ = 	snop  }
0x5: {  	_ = 	snop  }
0x6: {  	_ = 	snop  }
0x7: {  	_ = 	snop  }
__scs_overlays_trampoline_lowered:
0x8: {  	[smem:$0x3F35] =	sst s0  }
0x9: {  	[smem:$0x3F36] =	sst s1  }
0xa: {  	[smem:$0x3F37] =	sst s2  }
0xb: {  	[smem:$0x3F38] =	sst s3  }
0xc: {  	[smem:$0x3F39] =	sst s4  }
0xd: {  	[smem:$0x3F3A] =	sst s5  }
0xe: {  	[smem:$0x3F3B] =	sst s6  }
0xf: {  	[smem:$0x3F3C] =	sst s7  }
0x10: {  	[smem:$0x3F3D] =	sst s8  }
0x11: {  	[smem:$0x3F3E] =	sst s9;
	s0 =	simm.s32 @!p0 $0x0  }
0x12: {  	s1 =	sld [smem:$0x3F24];
	s0 =	simm.s32 @p0 $0x1  }
0x13: {  	[smem:$0x3F3F] =	sst s0;
	s0 =	simm.s32 @!p1 $0x0  }
0x14: {  	s2 =	sld [smem:$0x3F23];
	s0 =	simm.s32 @p1 $0x1  }
0x15: {  	[smem:$0x3F40] =	sst s0;
	s0 =	simm.s32 @!p2 $0x0  }
0x16: {  	s3 =	sld [smem:$0x3FDB];
	s0 =	simm.s32 @p2 $0x1  }
0x17: {  	s4 =	simm.s32 $0x1BF5;
	[smem:$0x3F42] =	sst s0  }
0x18: {  	s0 =	sld [smem:$0x3F25];
	_ =	swait.ge [sflag:s4], $0x0  }
0x19: {  	s7 =	sld [smem:$0x3F26]  }
0x1a: {  	s8 =	sadd.s32 $0xFFFFE003, lr  }
0x1b: {  	s9 =	sadd.s32 $0xFFFFFEF7, lr;
	s5 =	simm.s32 $0xFFFFFFFF;
	p2 =	slt.u32 s8, $0xFFFFF086  }
0x1c: {  	p1 =	slt.u32 s9, $0xF7A;
	s5 =	simm.s32 @!p2 $0x0  }
0x1d: {  	s5 =	simm.s32 @p1 $0x1;
	p0 =	seq.s32 s7, s2  }
0x1e: {  	s7 =	smul.u32 @!p0 $0xF7A, s2;
	p2 =	seq.s32 @!p0 s5, $0x0  }
0x1f: {  	s9 =	smul.u32 $0xF7A, s1;
	s8 =	simm.s32 @!p0 $0x1BF5;
	p2 =	por !p2, p0  }
0x20: {  	[sflag:s8] =	ssyncset.s32 @!p0 $0xFFFFF086;
	s6 =	sadd.s32 @!p0 s3, s7;
	s7 =	simm.s32 @!p0 $0x108  }
0x21: {  	s3 =	sadd.s32 s3, s9;
	s6 =	sadd.s32 @!p0 $0x88, s6;
	s7 =	simm.s32 @p2 $0x1082  }
0x22: {  	[simem:s7], [sflag:s8] =	dma.local @!p0 [hbm:s6], $0xF7A  }
0x23: {  	s9 =	sor.u32 $0xD0000000, s2;
	s6 =	simm.s32 $0x108;
	_ =	swait.ge @!p0 [sflag:s8], $0x0  }
0x24: {  	s3 =	sadd.s32 $0x88, s3;
	s6 =	simm.s32 @!p1 $0x1082;
	[sflag:s4] =	ssyncset.s32 $0xFFFFF086  }
0x25: {  	[simem:s6], [sflag:s4] =	dma.local [hbm:s3], $0xF7A  }
0x26: {  	[smem:$0x3F26] =	sst s1;
	(tag) =	ssettag s2;
	_ =	strace s9  }
0x27: {  	s1 =	sld [smem:$0x3F36]  }
0x28: {  	s2 =	sld [smem:$0x3F37]  }
0x29: {  	s4 =	sld [smem:$0x3F39]  }
0x2a: {  	p0 =	seq.s32 s5, $0x0;
	s5 =	sld [smem:$0x3F3A]  }
0x2b: {  	s6 =	sld [smem:$0x3F3B]  }
0x2c: {  	s7 =	sld [smem:$0x3F3C]  }
0x2d: {  	s3 =	simm.s32 $0x108;
	s8 =	sld [smem:$0x3F3D]  }
0x2e: {  	s3 =	simm.s32 @!p0 $0x1082;
	s9 =	sld [smem:$0x3F3E]  }
0x2f: {  	lr =	sadd.s32 s0, s3;
	s0 =	sld [smem:$0x3F35]  }
0x30: {  	s3 =	sld [smem:$0x3F38]  }
0x31: {  	[smem:$0x3F41] =	sst s10  }
0x32: {  	s10 =	sld [smem:$0x3F3F];
	_ =	sdelay $0x3  }
0x33: {  	p0 =	seq.s32 s10, $0x1;
	s10 =	sld [smem:$0x3F41];
	_ =	sdelay $0x3  }
0x34: {  	[smem:$0x3F41] =	sst s10  }
0x35: {  	s10 =	sld [smem:$0x3F40];
	_ =	sdelay $0x3  }
0x36: {  	p1 =	seq.s32 s10, $0x1;
	s10 =	sld [smem:$0x3F41];
	_ =	sdelay $0x3  }
0x37: {  	[smem:$0x3F41] =	sst s10  }
0x38: {  	s10 =	sld [smem:$0x3F42]  }
0x39: {  	_ = 	snop;
	(pc) =	sbr.ind lr, $3  }
0x3a: {  	_ = 	snop  }
0x3b: {  	_ = 	snop  }
0x3c: {  	p2 =	seq.s32 s10, $0x1;
	s10 =	sld [smem:$0x3F41]  }
0x3d: {  	_ =	shalt  }
0x3e: {  	_ =	shalt  }
0x3f: {  	_ =	shalt  }
0x40: {  	_ =	shalt  }
0x41: {  	_ =	shalt  }
0x42: {  	_ =	shalt  }
0x43: {  	_ =	shalt  }
0x44: {  	_ =	shalt  }
0x45: {  	_ =	shalt  }
0x46: {  	_ =	shalt  }
0x47: {  	_ =	shalt  }
0x48: {  	_ =	shalt  }
0x49: {  	_ =	shalt  }
0x4a: {  	_ =	shalt  }
0x4b: {  	_ =	shalt  }
0x4c: {  	_ =	shalt  }
0x4d: {  	_ =	shalt  }
0x4e: {  	_ =	shalt  }
0x4f: {  	_ =	shalt  }
0x50: {  	_ =	shalt  }
0x51: {  	_ =	shalt  }
0x52: {  	_ =	shalt  }
0x53: {  	_ =	shalt  }
0x54: {  	_ =	shalt  }
0x55: {  	_ =	shalt  }
0x56: {  	_ =	shalt  }
0x57: {  	_ =	shalt  }
0x58: {  	_ =	shalt  }
0x59: {  	_ =	shalt  }
0x5a: {  	_ =	shalt  }
0x5b: {  	_ =	shalt  }
0x5c: {  	_ =	shalt  }
0x5d: {  	_ =	shalt  }
0x5e: {  	_ =	shalt  }
0x5f: {  	_ =	shalt  }
0x60: {  	_ =	shalt  }
0x61: {  	_ =	shalt  }
0x62: {  	_ =	shalt  }
0x63: {  	_ =	shalt  }
0x64: {  	_ =	shalt  }
0x65: {  	_ =	shalt  }
0x66: {  	_ =	shalt  }
0x67: {  	_ =	shalt  }
0x68: {  	_ =	shalt  }
0x69: {  	_ =	shalt  }
0x6a: {  	_ =	shalt  }
0x6b: {  	_ =	shalt  }
0x6c: {  	_ =	shalt  }
0x6d: {  	_ =	shalt  }
0x6e: {  	_ =	shalt  }
0x6f: {  	_ =	shalt  }
0x70: {  	_ =	shalt  }
0x71: {  	_ =	shalt  }
0x72: {  	_ =	shalt  }
0x73: {  	_ =	shalt  }
0x74: {  	_ =	shalt  }
0x75: {  	_ =	shalt  }
0x76: {  	_ =	shalt  }
0x77: {  	_ =	shalt  }
0x78: {  	_ =	shalt  }
0x79: {  	_ =	shalt  }
0x7a: {  	_ =	shalt  }
0x7b: {  	_ =	shalt  }
0x7c: {  	_ =	shalt  }
0x7d: {  	_ =	shalt  }
0x7e: {  	_ =	shalt  }
0x7f: {  	_ =	shalt  }
0x80: {  	_ =	shalt  }
0x81: {  	_ =	shalt  }
0x82: {  	_ =	shalt  }
0x83: {  	_ =	shalt  }
0x84: {  	_ =	shalt  }
0x85: {  	_ =	shalt  }
0x86: {  	_ =	shalt  }
0x87: {  	_ =	shalt  }
.Lfunc_end0:
.L_simem_size_0:
called_computation.3_lowered:
.L_overlay_start_0:
0x88: {  	s2 =	sld [smem:$0x3FD9]  }
0x89: {  	s3 =	sld [smem:$0x3FFE];
	_ =	sdelay $0x1  }
0x8a: {  	s1 =	srdreg.scid  }
0x8b: {  	s0 =	sand.u32 $0x1, s1  }
0x8c: {  	s17 =	sshll.u32 s0, $0xA;
	s2 =	sadd.s32 s3, s2  }
0x8d: {  	s2 =	sadd.s32 s2, s17  }
0x8e: {  	[smem:$0x3F4D] =	sst s2  }
0x8f: {  	_ = 	snop  }
0x90: {  	(tm) =	ssettm $0x1  }
0x91: {  	s18 =	sld [smem:$0x3FFB];
	_ =	sdelay $0x3  }
0x92: {  	_ =	strace s18  }
0x93: {  	s2 =	sld [smem:$0x3FFC];
	_ =	sdelay $0x3  }
0x94: {  	_ =	strace s2  }
0x95: {  	s2 =	sld [smem:$0x3FFD];
	_ =	sdelay $0x3  }
0x96: {  	_ =	strace s2  }
0x97: {  	_ =	strace $0x8FFFFFFF  }
0x98: {  	s19 =	sld [smem:$0x3FDB];
	_ =	sdelay $0x1  }
0x99: {  	s20 =	simm.s32 $_scs_section_size  }
0x9a: {  	s4 =	simm.s32 $_size__tile_overlayer_lowered;
	s5 =	simm.s32 $_tile_overlayer_lowered  }
0x9b: {  	s6 =	simm.s32 $0x1BFF;
	s21 =	sshll.u32 s5, $0x1;
	s3 =	sadd.s32 s20, s19  }
0x9c: {  	s22 =	simm.s32 $0x0;
	s4 =	sshll.u32 s4, $0x1;
	s5 =	sadd.s32 s21, s3  }
0x9d: {  	[timem:s22], [sflag:s6] =	dma.local [hbm:s5], s4  }
0x9e: {  	_ =	swait.ge [sflag:s6], s4  }
0x9f: {  	s4 =	ssub.s32 $0x0, s4;
	[sflag:s6] =	ssyncset.done $0x0  }
0xa0: {  	[sflag:s6] =	ssyncadd.s32 s4;
	_ =	sdelay $0x1  }
0xa1: {  	s23 =	simm.s32 $0x1B8B  }
0xa2: {  	_ =	swait.ge [sflag:s23], $0x1  }
0xa3: {  	[sflag:s23] =	ssyncset.done $0x0  }
0xa4: {  	[sflag:s23] =	ssyncadd.s32 $0xFFFFFFFF  }
0xa5: {  	s4 =	sld [smem:$0x0]  }
0xa6: {  	s5 =	sand.u32 $0xFFFFFFFE, s1  }
0xa7: {  	p0 =	sne.s32 s1, s5  }
0xa8: {  	s5 =	sshll.u32 @p0 s5, $0xE  }
0xa9: {  	s5 =	sadd.s32 @p0 $0x11B8D, s5;
	s6 =	sshll.u32 @p0 s4, $0x11  }
0xaa: {  	s5 =	sor.u32 @p0 s6, s5  }
0xab: {  	[sflag:s5] =	ssyncadd.remote.s32 @p0 $0x1;
	_ =	sdelay $0x1  }
0xac: {  	s5 =	simm.s32 @p0 $0x1B8D  }
0xad: {  	_ =	swait.eq @p0 [sflag:s5], $0x1  }
0xae: {  	[sflag:s5] =	ssyncadd.s32 @p0 $0xFFFFFFFF  }
0xaf: {  	s6 =	sshll.u32 @!p0 s1, $0xE  }
0xb0: {  	s6 =	sor.u32 @!p0 $0x4000, s6;
	s5 =	simm.s32 @!p0 $0x1B8D  }
0xb1: {  	s4 =	sshll.u32 @!p0 s4, $0x11;
	s6 =	sadd.s32 @!p0 $0x11B8D, s6;
	_ =	swait.eq @!p0 [sflag:s5], $0x1  }
0xb2: {  	s4 =	sor.u32 @!p0 s4, s6;
	[sflag:s5] =	ssyncadd.s32 @!p0 $0xFFFFFFFF  }
0xb3: {  	s25 =	simm.s32 $0x1B8E;
	s24 =	sld [smem:$0x3FFE];
	[sflag:s4] =	ssyncadd.remote.s32 @!p0 $0x1  }
0xb4: {  	s26 =	simm.s32 $execute0_lowered;
	[smem:$0x3FD2] =	sst s25  }
0xb5: {  	s5 =	sshll.u32 s26, $0x1;
	_ =	strace $0x8000004F;
	[dreg:$0x1] =	wrdreg $0xFFFFFFFF  }
0xb6: {  	s28 =	simm.s32 $_size_execute0_lowered;
	s3 =	sadd.s32 s3, s5;
	[dreg:$0x0] =	wrdreg $0x0  }
0xb7: {  	s5 =	sshll.u32 s28, $0x1;
	[dreg:$0x2] =	wrdreg s3  }
0xb8: {  	[dreg:$0x3] =	wrdreg s5  }
0xb9: {  	[dreg:$0x4] =	wrdreg $0xC0  }
0xba: {  	_ =	task [dreg:s22], $0x5FFFF  }
0xbb: {  	[dreg:$0x1] =	wrdreg $0xFFFFFFFF  }
0xbc: {  	[dreg:$0x0] =	wrdreg $0x60  }
0xbd: {  	[dreg:$0x2] =	wrdreg s24  }
0xbe: {  	[dreg:$0x3] =	wrdreg $0xA  }
0xbf: {  	_ =	task.clear_ibuf [dreg:s22], $0x4FFFF;
	_ =	strace $0x9000004F  }
0xc0: {  	s29 =	simm.s32 $0xA;
	_ =	strace $0x80000051  }
0xc1: {  	_ =	swait.ge [sflag:s29], $0x1  }
0xc2: {  	[sflag:s29] =	ssyncadd.s32 $0xFFFFFFFF  }
0xc3: {  	_ =	strace $0x90000051  }
0xc4: {  	_ =	sfence  }
0xc5: {  	s30 =	sld [smem:$0x0];
	_ =	sdelay $0x2  }
0xc6: {  	s31 =	sshll.u32 s1, $0xD;
	s1 =	sshrl.u32 s1, $0x2  }
0xc7: {  	s4 =	sand.u32 $0x4000, s31;
	s1 =	sadd.s32 s1, s30  }
0xc8: {  	s0 =	sor.u32 s4, s0;
	s1 =	sshll.u32 s1, $0x11  }
0xc9: {  	s0 =	sor.u32 s1, s0  }
0xca: {  	s0 =	sadd.s32 $0x8F2B, s0  }
0xcb: {  	[sflag:s0] =	ssyncadd.remote.s32 $0x1  }
0xcc: {  	_ =	sfence.sel $0xFFFF  }
0xcd: {  	[dreg:$0x0] =	wrdreg $0xFFFFFFFF;
	(pc) =	sbr.abs _section_cstart, $3  }
0xce: {  	[dreg:$0x1] =	wrdreg $0xFFFFFFFF  }
0xcf: {  	_ =	task.clear_ibuf [dreg:s22], $0x2FFFF;
	_ =	strace $0x9FFFFFFF  }
0xd0: {  	(tm) =	ssettm $0x7FFFFFFF  }
0xd1: {  	_ =	shalt  }
tec
execute0_lowered:
.L_overlay_start_1:
0x0: {  	(tag) =	ssettag $0x1  }
0x1: {  	s0 =	srdreg.scid  }
0x2: {  	s1 =	sshll.u32 s0, $0x4  }
0x3: {  	s0 =	stileid.u32;
	s1 =	sand.u32 $0x10, s1  }
0x4: {  	s1 =	sor.u32 s0, s1  }
0x5: {  	s9 =	rddreg [dreg:$0x0];
	s6 =	simm.s32 $0x1;
	s2 =	smin.u32 s1, $0x4  }
0x6: {  	p0 =	slt.u32 s1, $0x4;
	s2 =	sadd.s32 s1, s2;
	s1 =	simm.s32 $0x40  }
0x7: {  	s7 =	simm.s32 $0x2;
	s2 =	sshll.u32 s2, $0x5;
	s1 =	simm.s32 @!p0 $0x20  }
0x8: {  	s10 =	simm.s32 $0x3;
	s13 =	simm.s32 $0x0;
	s3 =	sadd.s32 s1, s2  }
0x9: {  	s12 =	simm.s32 $0x0;
	s4 =	sadd.s32 $0xDC000, s9;
	s3 =	smin.u32 s3, $0x480  }
.Ltmp0:
0xa: {  	s5 =	sadd.s32 $0x148200, s9;
	s8 =	ssub.s32 s3, s2;
	(pc) =	sbr.rel .LBB2_1-.Ltmp0, $4  }
0xb: {  	s1 =	rddreg [dreg:$0x1];
	_ =	strace $0x80000050;
	p0 =	sgt.s32 s8, $0x0  }
0xc: {  	s9 =	sadd.s32 $0x112000, s9;
	[sflag:s6] =	ssyncpa.u1 $0x0;
	s8 =	simm.s32 @!p0 $0x0  }
0xd: {  	s11 =	smov.u32 s2;
	[sflag:s7] =	ssyncpa.u1 $0x0;
	s8 =	sshrl.u32 s8, $0x5  }
0xe: {  	vm0 =	vmmov $0xff;
	vm1 =	vcmask $0x3F20;
	[sflag:s10] =	ssyncpa.u1 $0x0;
	p0 =	por $0x0, $0x0;
	s10 =	sadd.s32 $0x1, s8  }
.LBB2_9:
0xf: {  	s13 =	sadd.s32 $0x20, s11  }
0x10: {  	s15 =	smov.u32 s2;
	p2 =	slt.s32 s13, s3  }
0x11: {  	s15 =	smov.u32 @p2 s13;
	p2 =	sne.s32 s12, s10  }
.Ltmp1:
0x12: {  	p1 =	slt.u32 s12, $0x2;
	(pc) =	sbr.rel @!p2 .LBB2_10-.Ltmp1, $4  }
0x13: {  	s14 =	simm.s32 @!p1 $0x3  }
0x14: {  	s16 =	sadd.s32 $0x1, s12;
	_ =	swait.ge @!p1 [sflag:s14], $0x6000  }
0x15: {  	p0 =	por !p0, !p0;
	s13 =	smov.u32 s11;
	[sflag:s14] =	ssyncset.done @!p1 $0x0  }
0x16: {  	s12 =	smov.u32 s16;
	s11 =	smov.u32 s15;
	[sflag:s14] =	ssyncadd.s32 @!p1 $0xFFFFA000  }
.LBB2_1:
0x17: {  	p1 =	sge.u32 s12, s8  }
0x18: {  	s14 =	sxor.u32 @!p1 $0xFFFFFFFF, s12  }
0x19: {  	s31 =	sadd.s32 $0xFFFFFFFF, s12;
	s15 =	sshrl.u32 @!p1 s11, $0x3;
	s14 =	sshll.u32 @!p1 s14, $0x5  }
0x1a: {  	s16 =	sand.u32 @!p1 $0x7, s11;
	s15 =	sadd.s32 @!p1 s5, s15;
	s14 =	sand.u32 @!p1 $0x20, s14  }
0x1b: {  	[tilespmem:s14], [sflag:$0x2] =	stream.linear.gather @!p1 [hbm4b:s15+s16], $0x20, $0x38;
	[tilespmem:$0xC040] =	vst v63  }
0x1c: {  	p1 =	sge.u32 s31, s8  }
.Ltmp2:
0x1d: {  	_ = 	snop;
	(pc) =	sbr.rel @p1 .LBB2_9-.Ltmp2, $1  }
0x1e: {  	_ =	sdelay $0x3  }
0x1f: {  	s14 =	simm.s32 $0x1  }
0x20: {  	s14 =	simm.s32 @!p0 $0x0  }
0x21: {  	_ =	swait.ge [sflag:s7], $0x20;
	s14 =	smul.u32 $0x18000, s14  }
0x22: {  	s15 =	sand.u32 $0x1, s12;
	s17 =	simm.s32 $0x0;
	p1 =	por $0x1, $0x1  }
0x23: {  	[sflag:s7] =	ssyncset.done $0x0;
	s15 =	sshll.u32 s15, $0x5;
	s16 =	sshrl.u32 s14, $0x2  }
0x24: {  	[sflag:s7] =	ssyncadd.s32 $0xFFFFFFE0;
	s14 =	sor.u32 $0x40, s16;
	s16 =	sadd.s32 $0x40, s16  }
.LBB2_3:
0x25: {  	s18 =	sshll.u32 s17, $0x4  }
0x26: {  	s18 =	sand.u32 $0x3FFFFFF0, s18  }
0x27: {  	s18 =	sadd.s32 s18, s15  }
0x28: {  	v0 =	vld.msk [tilespmem:s18+$0x0 ss:$0x1], $0xffff;
	_ =	sdelay $0x4  }
0x29: {  	v1 =	vshrl.u32 v0, $0x3  }
0x2a: {  	vm2 =	veq.s32 v0, $0x80000000;
	v1 =	vand.u32 $0x1FF, v1  }
0x2b: {  	v0 =	vand.u32 $0x7, v0;
	v1 =	vsel vm2, $0xFFFFFFFF, v1  }
0x2c: {  	v0 =	vmul.u32 $0x36000, v0;
	v2 =	vshrl.u32 v1, $0x3  }
0x2d: {  	v2 =	vmul.u32 $0x1800, v2  }
0x2e: {  	v0 =	vsel vm2, $0xFFFCA000, v0;
	v1 =	vshll.u32 v1, $0x7  }
0x2f: {  	v1 =	vand.u32 $0x380, v1;
	v0 =	vadd.s32 v0, v2  }
0x30: {  	v0 =	vor.u32 v1, v0  }
0x31: {  	s31 =	smul.u32 $0xC000, s17;
	v0 =	vshrl.u32 v0, $0x3;
	_ =	sdelay $0x1  }
0x32: {  	s17 =	sshra.s32 s31, $0x2  }
0x33: {  	s17 =	sadd.s32 s17, s16  }
0x34: {  	s19 =	sadd.s32 $0x0, s17  }
0x35: {  	[tilespmem:s19], [sflag:$0x1] =	stream.indirect_vreg.gather [hbm:s4], $0x80, v0, vm0, $0x38;
	[tilespmem:$0xC040] =	vst v63  }
0x36: {  	p2 =	por p1, p1;
	s18 =	simm.s32 $0x1000;
	v1 =	vadd.s32 $0x80, v0;
	s19 =	sadd.s32 $0x1800, s19  }
.LBB2_4:
0x37: {  	[tilespmem:s19], [sflag:$0x1] =	stream.indirect_vreg.gather [hbm:s4], $0x80, v0, vm1, $0x38;
	[tilespmem:$0xC040] =	vst v63  }
0x38: {  	v0 =	vmov v1;
	s19 =	smov.u32 s18;
	p1 =	sne.s32 s18, $0x5000  }
.Ltmp3:
0x39: {  	s18 =	sadd.s32 $0x1000, s18;
	(pc) =	sbr.rel @p1 .LBB2_4-.Ltmp3, $4  }
0x3a: {  	s19 =	sshra.s32 s19, $0x2  }
0x3b: {  	s19 =	sadd.s32 s19, s17  }
0x3c: {  	[tilespmem:s19], [sflag:$0x1] =	stream.indirect_vreg.gather [hbm:s4], $0x80, v1, vm0, $0x38;
	[tilespmem:$0xC040] =	vst v63  }
0x3d: {  	s19 =	sadd.s32 $0x1800, s19;
	v1 =	vadd.s32 $0x80, v1  }
0x3e: {  	_ = 	snop  }
.Ltmp4:
0x3f: {  	_ = 	snop;
	(pc) =	sbr.rel @p2 .LBB2_3-.Ltmp4, $3  }
0x40: {  	_ =	sdelay $0x1  }
0x41: {  	[tilespmem:s19], [sflag:$0x1] =	stream.indirect_vreg.gather [hbm:s4], $0x80, v0, vm1, $0x38;
	[tilespmem:$0xC040] =	vst v63  }
0x42: {  	s17 =	simm.s32 $0x1;
	p1 =	por $0x0, $0x0  }
0x43: {  	s15 =	sshrl.u32 s13, $0x3  }
0x44: {  	s15 =	smul.u32 $0x300, s15  }
0x45: {  	s31 =	sshll.u32 s13, $0x4  }
0x46: {  	_ =	swait.ge [sflag:s6], $0x6000;
	s13 =	sand.u32 $0x70, s31;
	s15 =	sadd.s32 s15, s9  }
0x47: {  	s16 =	sadd.s32 $0x1800, s14;
	[sflag:s6] =	ssyncset.done $0x0;
	s13 =	sadd.s32 s13, s15  }
0x48: {  	[sflag:s6] =	ssyncadd.s32 $0xFFFFA000;
	s15 =	simm.s32 $0x300;
	s17 =	sadd.s32 $0x0, s13  }
.LBB2_7:
0x49: {  	[hbm:s17] =	stream.linear.scatter [tilespmem:s14], [sflag:$0x3], $0x1800, $0x38;
	[tilespmem:$0xC040] =	vst v63  }
0x4a: {  	s17 =	smov.u32 s15;
	s14 =	smov.u32 s16;
	p1 =	sne.s32 s15, $0x900  }
.Ltmp5:
0x4b: {  	s15 =	sadd.s32 $0x300, s15;
	(pc) =	sbr.rel @p1 .LBB2_7-.Ltmp5, $2  }
0x4c: {  	_ =	sdelay $0x2  }
0x4d: {  	s16 =	sadd.s32 $0x1800, s16;
	s17 =	sadd.s32 s17, s13  }
.Ltmp6:
0x4e: {  	(pc) =	sbr.rel .LBB2_9-.Ltmp6, $2  }
0x4f: {  	_ =	sdelay $0x2  }
0x50: {  	[hbm:s17] =	stream.linear.scatter [tilespmem:s14], [sflag:$0x3], $0x1800, $0x38;
	[tilespmem:$0xC040] =	vst v63  }
.LBB2_10:
0x51: {  	_ =	sfence.sel $0x180000  }
0x52: {  	s2 =	simm.s32 $0x2;
	[bflag:$0x0] =	sbarrier.arrive $0xFFFF  }
0x53: {  	s30 =	simm.s32 $0x3;
	[sflag:s2] =	ssyncpa.u1 $0x1  }
0x54: {  	s31 =	simm.s32 $0x1;
	[sflag:s30] =	ssyncpa.u1 $0x1  }
0x55: {  	[sflag:s31] =	ssyncpa.u1 $0x1  }
0x56: {  	p0 =	sne.s32 s0, $0x0;
	_ =	strace $0x90000050  }
0x57: {  	s0 =	sadd.s32 @!p0 $0x100000, s1;
	[bflag:$0x2] =	sbarrier.arrive $0xFFFF  }
0x58: {  	[sflag:s0] =	ssyncadd.tile.s32 @!p0 $0x1;
	_ =	shalt  }
.Lfunc_end2:
_tile_overlayer_lowered:
.L_overlay_start_2:
0x59: {  	(tag) =	ssettag $0x2  }
0x5a: {  	s0 =	rddreg [dreg:$0x0];
	s2 =	stileid.u32  }
0x5b: {  	s1 =	rddreg [dreg:$0x1];
	p0 =	sne.s32 s2, $0x0  }
0x5c: {  	s3 =	rddreg [dreg:$0x2];
	[bflag:$0x3] =	sbarrier.arrive $0xFFFF;
	s2 =	simm.s32 @!p0 $0x1C01  }
0x5d: {  	[timem:s3], [sflag:s2] =	dma.local @!p0 [hbm:s0], s1  }
0x5e: {  	s0 =	simm.s32 @!p0 $0x1  }
0x5f: {  	_ =	swait.ge @!p0 [sflag:s0], s1  }
0x60: {  	s1 =	ssub.s32 @!p0 $0x0, s1;
	[sflag:s0] =	ssyncset.done @!p0 $0x0  }
0x61: {  	[sflag:s0] =	ssyncadd.s32 @!p0 s1  }
0x62: {  	[bflag:$0x3] =	sbarrier.arrive $0xFFFF  }
0x63: {  	_ =	shalt  }

// kernel: gather_offload_async_start
scs
__scs_entry_jumppad:
0x0: {  	(pc) =	sbr.rel $0x88, $3  }
0x1: {  	(tag) =	ssettag $0x0;
	lr =	simm.s32 $0x1  }
0x2: {  	[smem:$0x3F26] =	sst lr;
	_ =	strace $0xD0000000  }
0x3: {  	_ = 	snop  }
0x4: {  	_ = 	snop  }
0x5: {  	_ = 	snop  }
0x6: {  	_ = 	snop  }
0x7: {  	_ = 	snop  }
__scs_overlays_trampoline_lowered:
0x8: {  	[smem:$0x3F35] =	sst s0  }
0x9: {  	[smem:$0x3F36] =	sst s1  }
0xa: {  	[smem:$0x3F37] =	sst s2  }
0xb: {  	[smem:$0x3F38] =	sst s3  }
0xc: {  	[smem:$0x3F39] =	sst s4  }
0xd: {  	[smem:$0x3F3A] =	sst s5  }
0xe: {  	[smem:$0x3F3B] =	sst s6  }
0xf: {  	[smem:$0x3F3C] =	sst s7  }
0x10: {  	[smem:$0x3F3D] =	sst s8  }
0x11: {  	[smem:$0x3F3E] =	sst s9;
	s0 =	simm.s32 @!p0 $0x0  }
0x12: {  	s1 =	sld [smem:$0x3F24];
	s0 =	simm.s32 @p0 $0x1  }
0x13: {  	[smem:$0x3F3F] =	sst s0;
	s0 =	simm.s32 @!p1 $0x0  }
0x14: {  	s2 =	sld [smem:$0x3F23];
	s0 =	simm.s32 @p1 $0x1  }
0x15: {  	[smem:$0x3F40] =	sst s0;
	s0 =	simm.s32 @!p2 $0x0  }
0x16: {  	s3 =	sld [smem:$0x3FDB];
	s0 =	simm.s32 @p2 $0x1  }
0x17: {  	s4 =	simm.s32 $0x1BF5;
	[smem:$0x3F42] =	sst s0  }
0x18: {  	s0 =	sld [smem:$0x3F25];
	_ =	swait.ge [sflag:s4], $0x0  }
0x19: {  	s7 =	sld [smem:$0x3F26]  }
0x1a: {  	s8 =	sadd.s32 $0xFFFFE003, lr  }
0x1b: {  	s9 =	sadd.s32 $0xFFFFFEF7, lr;
	s5 =	simm.s32 $0xFFFFFFFF;
	p2 =	slt.u32 s8, $0xFFFFF086  }
0x1c: {  	p1 =	slt.u32 s9, $0xF7A;
	s5 =	simm.s32 @!p2 $0x0  }
0x1d: {  	s5 =	simm.s32 @p1 $0x1;
	p0 =	seq.s32 s7, s2  }
0x1e: {  	s7 =	smul.u32 @!p0 $0xF7A, s2;
	p2 =	seq.s32 @!p0 s5, $0x0  }
0x1f: {  	s9 =	smul.u32 $0xF7A, s1;
	s8 =	simm.s32 @!p0 $0x1BF5;
	p2 =	por !p2, p0  }
0x20: {  	[sflag:s8] =	ssyncset.s32 @!p0 $0xFFFFF086;
	s6 =	sadd.s32 @!p0 s3, s7;
	s7 =	simm.s32 @!p0 $0x108  }
0x21: {  	s3 =	sadd.s32 s3, s9;
	s6 =	sadd.s32 @!p0 $0x88, s6;
	s7 =	simm.s32 @p2 $0x1082  }
0x22: {  	[simem:s7], [sflag:s8] =	dma.local @!p0 [hbm:s6], $0xF7A  }
0x23: {  	s9 =	sor.u32 $0xD0000000, s2;
	s6 =	simm.s32 $0x108;
	_ =	swait.ge @!p0 [sflag:s8], $0x0  }
0x24: {  	s3 =	sadd.s32 $0x88, s3;
	s6 =	simm.s32 @!p1 $0x1082;
	[sflag:s4] =	ssyncset.s32 $0xFFFFF086  }
0x25: {  	[simem:s6], [sflag:s4] =	dma.local [hbm:s3], $0xF7A  }
0x26: {  	[smem:$0x3F26] =	sst s1;
	(tag) =	ssettag s2;
	_ =	strace s9  }
0x27: {  	s1 =	sld [smem:$0x3F36]  }
0x28: {  	s2 =	sld [smem:$0x3F37]  }
0x29: {  	s4 =	sld [smem:$0x3F39]  }
0x2a: {  	p0 =	seq.s32 s5, $0x0;
	s5 =	sld [smem:$0x3F3A]  }
0x2b: {  	s6 =	sld [smem:$0x3F3B]  }
0x2c: {  	s7 =	sld [smem:$0x3F3C]  }
0x2d: {  	s3 =	simm.s32 $0x108;
	s8 =	sld [smem:$0x3F3D]  }
0x2e: {  	s3 =	simm.s32 @!p0 $0x1082;
	s9 =	sld [smem:$0x3F3E]  }
0x2f: {  	lr =	sadd.s32 s0, s3;
	s0 =	sld [smem:$0x3F35]  }
0x30: {  	s3 =	sld [smem:$0x3F38]  }
0x31: {  	[smem:$0x3F41] =	sst s10  }
0x32: {  	s10 =	sld [smem:$0x3F3F];
	_ =	sdelay $0x3  }
0x33: {  	p0 =	seq.s32 s10, $0x1;
	s10 =	sld [smem:$0x3F41];
	_ =	sdelay $0x3  }
0x34: {  	[smem:$0x3F41] =	sst s10  }
0x35: {  	s10 =	sld [smem:$0x3F40];
	_ =	sdelay $0x3  }
0x36: {  	p1 =	seq.s32 s10, $0x1;
	s10 =	sld [smem:$0x3F41];
	_ =	sdelay $0x3  }
0x37: {  	[smem:$0x3F41] =	sst s10  }
0x38: {  	s10 =	sld [smem:$0x3F42]  }
0x39: {  	_ = 	snop;
	(pc) =	sbr.ind lr, $3  }
0x3a: {  	_ = 	snop  }
0x3b: {  	_ = 	snop  }
0x3c: {  	p2 =	seq.s32 s10, $0x1;
	s10 =	sld [smem:$0x3F41]  }
0x3d: {  	_ =	shalt  }
0x3e: {  	_ =	shalt  }
0x3f: {  	_ =	shalt  }
0x40: {  	_ =	shalt  }
0x41: {  	_ =	shalt  }
0x42: {  	_ =	shalt  }
0x43: {  	_ =	shalt  }
0x44: {  	_ =	shalt  }
0x45: {  	_ =	shalt  }
0x46: {  	_ =	shalt  }
0x47: {  	_ =	shalt  }
0x48: {  	_ =	shalt  }
0x49: {  	_ =	shalt  }
0x4a: {  	_ =	shalt  }
0x4b: {  	_ =	shalt  }
0x4c: {  	_ =	shalt  }
0x4d: {  	_ =	shalt  }
0x4e: {  	_ =	shalt  }
0x4f: {  	_ =	shalt  }
0x50: {  	_ =	shalt  }
0x51: {  	_ =	shalt  }
0x52: {  	_ =	shalt  }
0x53: {  	_ =	shalt  }
0x54: {  	_ =	shalt  }
0x55: {  	_ =	shalt  }
0x56: {  	_ =	shalt  }
0x57: {  	_ =	shalt  }
0x58: {  	_ =	shalt  }
0x59: {  	_ =	shalt  }
0x5a: {  	_ =	shalt  }
0x5b: {  	_ =	shalt  }
0x5c: {  	_ =	shalt  }
0x5d: {  	_ =	shalt  }
0x5e: {  	_ =	shalt  }
0x5f: {  	_ =	shalt  }
0x60: {  	_ =	shalt  }
0x61: {  	_ =	shalt  }
0x62: {  	_ =	shalt  }
0x63: {  	_ =	shalt  }
0x64: {  	_ =	shalt  }
0x65: {  	_ =	shalt  }
0x66: {  	_ =	shalt  }
0x67: {  	_ =	shalt  }
0x68: {  	_ =	shalt  }
0x69: {  	_ =	shalt  }
0x6a: {  	_ =	shalt  }
0x6b: {  	_ =	shalt  }
0x6c: {  	_ =	shalt  }
0x6d: {  	_ =	shalt  }
0x6e: {  	_ =	shalt  }
0x6f: {  	_ =	shalt  }
0x70: {  	_ =	shalt  }
0x71: {  	_ =	shalt  }
0x72: {  	_ =	shalt  }
0x73: {  	_ =	shalt  }
0x74: {  	_ =	shalt  }
0x75: {  	_ =	shalt  }
0x76: {  	_ =	shalt  }
0x77: {  	_ =	shalt  }
0x78: {  	_ =	shalt  }
0x79: {  	_ =	shalt  }
0x7a: {  	_ =	shalt  }
0x7b: {  	_ =	shalt  }
0x7c: {  	_ =	shalt  }
0x7d: {  	_ =	shalt  }
0x7e: {  	_ =	shalt  }
0x7f: {  	_ =	shalt  }
0x80: {  	_ =	shalt  }
0x81: {  	_ =	shalt  }
0x82: {  	_ =	shalt  }
0x83: {  	_ =	shalt  }
0x84: {  	_ =	shalt  }
0x85: {  	_ =	shalt  }
0x86: {  	_ =	shalt  }
0x87: {  	_ =	shalt  }
.Lfunc_end0:
.L_simem_size_0:
called_computation_lowered:
.L_overlay_start_0:
0x88: {  	s2 =	sld [smem:$0x3FD9]  }
0x89: {  	s3 =	sld [smem:$0x3FFE];
	_ =	sdelay $0x1  }
0x8a: {  	s1 =	srdreg.scid  }
0x8b: {  	s0 =	sand.u32 $0x1, s1  }
0x8c: {  	s17 =	sshll.u32 s0, $0xA;
	s2 =	sadd.s32 s3, s2  }
0x8d: {  	s2 =	sadd.s32 s2, s17  }
0x8e: {  	[smem:$0x3F4D] =	sst s2  }
0x8f: {  	_ = 	snop  }
0x90: {  	s18 =	sld [smem:$0x3FD0];
	(tm) =	ssettm $0x1  }
0x91: {  	s19 =	sld [smem:$0x3FFB];
	_ =	sdelay $0x3  }
0x92: {  	_ =	strace s19  }
0x93: {  	s2 =	sld [smem:$0x3FFC];
	_ =	sdelay $0x3  }
0x94: {  	_ =	strace s2  }
0x95: {  	s2 =	sld [smem:$0x3FFD];
	_ =	sdelay $0x3  }
0x96: {  	_ =	strace s2  }
0x97: {  	_ =	strace $0x8FFFFFFF  }
0x98: {  	s20 =	sld [smem:$0x3FDB];
	_ =	sdelay $0x1  }
0x99: {  	s4 =	simm.s32 $_scs_section_size  }
0x9a: {  	s5 =	simm.s32 $_size__tile_overlayer_lowered;
	s6 =	simm.s32 $_tile_overlayer_lowered  }
0x9b: {  	s7 =	simm.s32 $0x1BFF;
	s21 =	sshll.u32 s6, $0x1;
	s4 =	sadd.s32 s4, s20  }
0x9c: {  	s22 =	simm.s32 $0x0;
	s5 =	sshll.u32 s5, $0x1;
	s6 =	sadd.s32 s21, s4  }
0x9d: {  	[timem:s22], [sflag:s7] =	dma.local [hbm:s6], s5  }
0x9e: {  	_ =	swait.ge [sflag:s7], s5  }
0x9f: {  	s5 =	ssub.s32 $0x0, s5;
	[sflag:s7] =	ssyncset.done $0x0  }
0xa0: {  	[sflag:s7] =	ssyncadd.s32 s5;
	_ =	sdelay $0x1  }
0xa1: {  	s23 =	simm.s32 $0x1B8B  }
0xa2: {  	_ =	swait.ge [sflag:s23], $0x1  }
0xa3: {  	[sflag:s23] =	ssyncset.done $0x0  }
0xa4: {  	[sflag:s23] =	ssyncadd.s32 $0xFFFFFFFF  }
0xa5: {  	s5 =	sld [smem:$0x0]  }
0xa6: {  	s6 =	sand.u32 $0xFFFFFFFE, s1  }
0xa7: {  	p0 =	sne.s32 s1, s6  }
0xa8: {  	s6 =	sshll.u32 @p0 s6, $0xE  }
0xa9: {  	s6 =	sadd.s32 @p0 $0x11B8D, s6;
	s7 =	sshll.u32 @p0 s5, $0x11  }
0xaa: {  	s6 =	sor.u32 @p0 s7, s6  }
0xab: {  	[sflag:s6] =	ssyncadd.remote.s32 @p0 $0x1;
	_ =	sdelay $0x1  }
0xac: {  	s6 =	simm.s32 @p0 $0x1B8D  }
0xad: {  	_ =	swait.eq @p0 [sflag:s6], $0x1  }
0xae: {  	[sflag:s6] =	ssyncadd.s32 @p0 $0xFFFFFFFF  }
0xaf: {  	s7 =	sshll.u32 @!p0 s1, $0xE  }
0xb0: {  	s7 =	sor.u32 @!p0 $0x4000, s7;
	s6 =	simm.s32 @!p0 $0x1B8D  }
0xb1: {  	s5 =	sshll.u32 @!p0 s5, $0x11;
	s7 =	sadd.s32 @!p0 $0x11B8D, s7;
	_ =	swait.eq @!p0 [sflag:s6], $0x1  }
0xb2: {  	s5 =	sor.u32 @!p0 s5, s7;
	[sflag:s6] =	ssyncadd.s32 @!p0 $0xFFFFFFFF  }
0xb3: {  	s25 =	simm.s32 $0x1B8E;
	s24 =	sld [smem:$0x3FFE];
	[sflag:s5] =	ssyncadd.remote.s32 @!p0 $0x1  }
0xb4: {  	s26 =	simm.s32 $execute0_lowered;
	[smem:$0x3FD2] =	sst s25  }
0xb5: {  	s6 =	sshll.u32 s26, $0x1;
	_ =	strace $0x80000049;
	[dreg:$0x1] =	wrdreg $0xFFFFFFFF  }
0xb6: {  	s28 =	simm.s32 $_size_execute0_lowered;
	s4 =	sadd.s32 s4, s6;
	[dreg:$0x0] =	wrdreg $0x0  }
0xb7: {  	s6 =	sshll.u32 s28, $0x1;
	[dreg:$0x2] =	wrdreg s4  }
0xb8: {  	[dreg:$0x3] =	wrdreg s6  }
0xb9: {  	[dreg:$0x4] =	wrdreg $0xC0  }
0xba: {  	_ =	task [dreg:s22], $0x5FFFF  }
0xbb: {  	[dreg:$0x1] =	wrdreg $0xFFFFFFFF  }
0xbc: {  	[dreg:$0x0] =	wrdreg $0x60  }
0xbd: {  	[dreg:$0x2] =	wrdreg s24  }
0xbe: {  	[dreg:$0x3] =	wrdreg s18  }
0xbf: {  	[dreg:$0x4] =	wrdreg $0x9  }
0xc0: {  	_ =	task.clear_ibuf [dreg:s22], $0x5FFFF;
	_ =	strace $0x90000049  }
0xc1: {  	s29 =	simm.s32 $0x9;
	_ =	strace $0x8000004B  }
0xc2: {  	_ =	swait.ge [sflag:s29], $0x1  }
0xc3: {  	[sflag:s29] =	ssyncadd.s32 $0xFFFFFFFF  }
0xc4: {  	_ =	strace $0x9000004B  }
0xc5: {  	_ =	sfence  }
0xc6: {  	s30 =	sld [smem:$0x0];
	_ =	sdelay $0x2  }
0xc7: {  	s31 =	sshll.u32 s1, $0xD;
	s1 =	sshrl.u32 s1, $0x2  }
0xc8: {  	s4 =	sand.u32 $0x4000, s31;
	s1 =	sadd.s32 s1, s30  }
0xc9: {  	s0 =	sor.u32 s4, s0;
	s1 =	sshll.u32 s1, $0x11  }
0xca: {  	s0 =	sor.u32 s1, s0  }
0xcb: {  	s0 =	sadd.s32 $0x8F2B, s0  }
0xcc: {  	[sflag:s0] =	ssyncadd.remote.s32 $0x1  }
0xcd: {  	_ =	sfence.sel $0xFFFF  }
0xce: {  	[dreg:$0x0] =	wrdreg $0xFFFFFFFF;
	(pc) =	sbr.abs _section_cstart, $3  }
0xcf: {  	[dreg:$0x1] =	wrdreg $0xFFFFFFFF  }
0xd0: {  	_ =	task.clear_ibuf [dreg:s22], $0x2FFFF;
	_ =	strace $0x9FFFFFFF  }
0xd1: {  	(tm) =	ssettm $0x7FFFFFFF  }
tec
execute0_lowered:
.L_overlay_start_1:
0x0: {  	(tag) =	ssettag $0x1  }
0x1: {  	s0 =	srdreg.scid  }
0x2: {  	s1 =	sshll.u32 s0, $0x4  }
0x3: {  	s0 =	stileid.u32;
	s1 =	sand.u32 $0x10, s1  }
0x4: {  	s9 =	rddreg [dreg:$0x0];
	s1 =	sor.u32 s0, s1  }
0x5: {  	s3 =	rddreg [dreg:$0x1];
	s2 =	smin.u32 s1, $0x4  }
0x6: {  	p0 =	slt.u32 s1, $0x4;
	s2 =	sadd.s32 s1, s2;
	s1 =	simm.s32 $0x80  }
0x7: {  	s6 =	simm.s32 $0x1;
	s2 =	sshll.u32 s2, $0x6;
	s1 =	simm.s32 @!p0 $0x40  }
0x8: {  	s7 =	simm.s32 $0x2;
	s10 =	simm.s32 $0x3;
	s4 =	sadd.s32 s1, s2  }
0x9: {  	s13 =	simm.s32 $0x0;
	s12 =	simm.s32 $0x0;
	s4 =	smin.u32 s4, $0x900  }
.Ltmp0:
0xa: {  	s5 =	sadd.s32 $0x220800, s9;
	s8 =	ssub.s32 s4, s2;
	(pc) =	sbr.rel .LBB2_1-.Ltmp0, $4  }
0xb: {  	s1 =	rddreg [dreg:$0x2];
	_ =	strace $0x8000004A;
	p0 =	sgt.s32 s8, $0x0  }
0xc: {  	s9 =	sadd.s32 $0x4000, s9;
	[sflag:s6] =	ssyncpa.u1 $0x0;
	s8 =	simm.s32 @!p0 $0x0  }
0xd: {  	s11 =	smov.u32 s2;
	[sflag:s7] =	ssyncpa.u1 $0x0;
	s8 =	sshrl.u32 s8, $0x6  }
0xe: {  	vm0 =	vmmov $0xff;
	vm1 =	vcmask $0x3F20;
	[sflag:s10] =	ssyncpa.u1 $0x0;
	p0 =	por $0x0, $0x0;
	s10 =	sadd.s32 $0x1, s8  }
.LBB2_9:
0xf: {  	s13 =	sadd.s32 $0x40, s11  }
0x10: {  	s15 =	smov.u32 s2;
	p2 =	slt.s32 s13, s4  }
0x11: {  	s15 =	smov.u32 @p2 s13;
	p2 =	sne.s32 s12, s10  }
.Ltmp1:
0x12: {  	p1 =	slt.u32 s12, $0x2;
	(pc) =	sbr.rel @!p2 .LBB2_10-.Ltmp1, $4  }
0x13: {  	s14 =	simm.s32 @!p1 $0x3  }
0x14: {  	s16 =	sadd.s32 $0x1, s12;
	_ =	swait.ge @!p1 [sflag:s14], $0xC000  }
0x15: {  	p0 =	por !p0, !p0;
	s13 =	smov.u32 s11;
	[sflag:s14] =	ssyncset.done @!p1 $0x0  }
0x16: {  	s12 =	smov.u32 s16;
	s11 =	smov.u32 s15;
	[sflag:s14] =	ssyncadd.s32 @!p1 $0xFFFF4000  }
.LBB2_1:
0x17: {  	p1 =	sge.u32 s12, s8  }
0x18: {  	s14 =	sxor.u32 @!p1 $0xFFFFFFFF, s12  }
0x19: {  	s31 =	sadd.s32 $0xFFFFFFFF, s12;
	s15 =	sshrl.u32 @!p1 s11, $0x3;
	s14 =	sshll.u32 @!p1 s14, $0x6  }
0x1a: {  	s16 =	sand.u32 @!p1 $0x7, s11;
	s15 =	sadd.s32 @!p1 s9, s15;
	s14 =	sand.u32 @!p1 $0x40, s14  }
0x1b: {  	[tilespmem:s14], [sflag:$0x2] =	stream.linear.gather @!p1 [hbm4b:s15+s16], $0x40, $0x38;
	[tilespmem:$0x18080] =	vst v63  }
0x1c: {  	p1 =	sge.u32 s31, s8  }
.Ltmp2:
0x1d: {  	_ = 	snop;
	(pc) =	sbr.rel @p1 .LBB2_9-.Ltmp2, $1  }
0x1e: {  	_ =	sdelay $0x3  }
0x1f: {  	s14 =	simm.s32 $0x1  }
0x20: {  	s14 =	simm.s32 @!p0 $0x0  }
0x21: {  	s14 =	smul.u32 $0x30000, s14;
	_ =	sdelay $0x1  }
0x22: {  	_ =	swait.ge [sflag:s7], $0x40;
	s15 =	sand.u32 $0x1, s12;
	s14 =	sshrl.u32 s14, $0x2  }
0x23: {  	s16 =	simm.s32 $0x0;
	[sflag:s7] =	ssyncset.done $0x0;
	s14 =	sor.u32 $0x80, s14  }
0x24: {  	s15 =	sshll.u32 s15, $0x6;
	[sflag:s7] =	ssyncadd.s32 $0xFFFFFFC0;
	s17 =	smov.u32 s14  }
.LBB2_3:
0x25: {  	s18 =	sshll.u32 s16, $0x4  }
0x26: {  	s18 =	sand.u32 $0x3FFFFFF0, s18  }
0x27: {  	s18 =	sadd.s32 s18, s15  }
0x28: {  	v0 =	vld.msk [tilespmem:s18+$0x0 ss:$0x1], $0xffff;
	_ =	sdelay $0x4  }
0x29: {  	v1 =	vshrl.u32 v0, $0x3  }
0x2a: {  	vm2 =	veq.s32 v0, $0x80000000;
	v1 =	vand.u32 $0x3FF, v1  }
0x2b: {  	v0 =	vand.u32 $0x7, v0;
	v1 =	vsel vm2, $0xFFFFFFFF, v1  }
0x2c: {  	v0 =	vmul.u32 $0x6C000, v0;
	v2 =	vshrl.u32 v1, $0x3  }
0x2d: {  	v2 =	vmul.u32 $0x1800, v2  }
0x2e: {  	v0 =	vsel vm2, $0xFFF94000, v0;
	v1 =	vshll.u32 v1, $0x7  }
0x2f: {  	v1 =	vand.u32 $0x380, v1;
	v0 =	vadd.s32 v0, v2  }
0x30: {  	v0 =	vor.u32 v1, v0  }
0x31: {  	v0 =	vshrl.u32 v0, $0x3;
	_ =	sdelay $0x3  }
0x32: {  	s19 =	sadd.s32 $0x0, s17  }
0x33: {  	[tilespmem:s19], [sflag:$0x1] =	stream.indirect_vreg.gather [hbm:s5], $0x80, v0, vm0, $0x38;
	[tilespmem:$0x18080] =	vst v63  }
0x34: {  	s18 =	simm.s32 $0x1000;
	v1 =	vadd.s32 $0x80, v0;
	s19 =	sadd.s32 $0x1800, s19  }
.LBB2_4:
0x35: {  	[tilespmem:s19], [sflag:$0x1] =	stream.indirect_vreg.gather [hbm:s5], $0x80, v0, vm1, $0x38;
	[tilespmem:$0x18080] =	vst v63  }
0x36: {  	v0 =	vmov v1;
	s19 =	smov.u32 s18;
	p1 =	sne.s32 s18, $0x5000  }
.Ltmp3:
0x37: {  	s18 =	sadd.s32 $0x1000, s18;
	(pc) =	sbr.rel @p1 .LBB2_4-.Ltmp3, $4  }
0x38: {  	s19 =	sshra.s32 s19, $0x2  }
0x39: {  	s19 =	sadd.s32 s19, s17  }
0x3a: {  	[tilespmem:s19], [sflag:$0x1] =	stream.indirect_vreg.gather [hbm:s5], $0x80, v1, vm0, $0x38;
	[tilespmem:$0x18080] =	vst v63  }
0x3b: {  	s19 =	sadd.s32 $0x1800, s19;
	v1 =	vadd.s32 $0x80, v1  }
0x3c: {  	s16 =	sadd.s32 $0x1, s16  }
0x3d: {  	p1 =	sne.s32 s16, $0x4  }
.Ltmp4:
0x3e: {  	_ = 	snop;
	(pc) =	sbr.rel @p1 .LBB2_3-.Ltmp4, $3  }
0x3f: {  	_ =	sdelay $0x1  }
0x40: {  	[tilespmem:s19], [sflag:$0x1] =	stream.indirect_vreg.gather [hbm:s5], $0x80, v0, vm1, $0x38;
	[tilespmem:$0x18080] =	vst v63  }
0x41: {  	s17 =	sadd.s32 $0x3000, s17  }
0x42: {  	s15 =	sshrl.u32 s13, $0x3  }
0x43: {  	s15 =	smul.u32 $0x300, s15  }
0x44: {  	s31 =	sshll.u32 s13, $0x4  }
0x45: {  	_ =	swait.ge [sflag:s6], $0xC000;
	s13 =	sand.u32 $0x70, s31;
	s15 =	sadd.s32 s15, s3  }
0x46: {  	s16 =	sadd.s32 $0x1800, s14;
	[sflag:s6] =	ssyncset.done $0x0;
	s13 =	sadd.s32 s13, s15  }
0x47: {  	[sflag:s6] =	ssyncadd.s32 $0xFFFF4000;
	s15 =	simm.s32 $0x300;
	s17 =	sadd.s32 $0x0, s13  }
.LBB2_7:
0x48: {  	[hbm:s17] =	stream.linear.scatter [tilespmem:s14], [sflag:$0x3], $0x1800, $0x38;
	[tilespmem:$0x18080] =	vst v63  }
0x49: {  	s17 =	smov.u32 s15;
	s14 =	smov.u32 s16;
	p1 =	sne.s32 s15, $0x1500  }
.Ltmp5:
0x4a: {  	s15 =	sadd.s32 $0x300, s15;
	(pc) =	sbr.rel @p1 .LBB2_7-.Ltmp5, $2  }
0x4b: {  	_ =	sdelay $0x2  }
0x4c: {  	s16 =	sadd.s32 $0x1800, s16;
	s17 =	sadd.s32 s17, s13  }
.Ltmp6:
0x4d: {  	(pc) =	sbr.rel .LBB2_9-.Ltmp6, $2  }
0x4e: {  	_ =	sdelay $0x2  }
0x4f: {  	[hbm:s17] =	stream.linear.scatter [tilespmem:s14], [sflag:$0x3], $0x1800, $0x38;
	[tilespmem:$0x18080] =	vst v63  }
.LBB2_10:
0x50: {  	_ =	sfence.sel $0x180000  }
0x51: {  	s2 =	simm.s32 $0x2;
	[bflag:$0x0] =	sbarrier.arrive $0xFFFF  }
0x52: {  	s30 =	simm.s32 $0x3;
	[sflag:s2] =	ssyncpa.u1 $0x1  }
0x53: {  	s31 =	simm.s32 $0x1;
	[sflag:s30] =	ssyncpa.u1 $0x1  }
0x54: {  	[sflag:s31] =	ssyncpa.u1 $0x1  }
0x55: {  	p0 =	sne.s32 s0, $0x0;
	_ =	strace $0x9000004A  }
0x56: {  	s0 =	sadd.s32 @!p0 $0x100000, s1;
	[bflag:$0x2] =	sbarrier.arrive $0xFFFF  }
0x57: {  	[sflag:s0] =	ssyncadd.tile.s32 @!p0 $0x1;
	_ =	shalt  }
.Lfunc_end2:
_tile_overlayer_lowered:
.L_overlay_start_2:
0x58: {  	(tag) =	ssettag $0x2  }
0x59: {  	s0 =	rddreg [dreg:$0x0];
	s2 =	stileid.u32  }
0x5a: {  	s1 =	rddreg [dreg:$0x1];
	p0 =	sne.s32 s2, $0x0  }
0x5b: {  	s3 =	rddreg [dreg:$0x2];
	[bflag:$0x3] =	sbarrier.arrive $0xFFFF;
	s2 =	simm.s32 @!p0 $0x1C01  }
0x5c: {  	[timem:s3], [sflag:s2] =	dma.local @!p0 [hbm:s0], s1  }
0x5d: {  	s0 =	simm.s32 @!p0 $0x1  }
0x5e: {  	_ =	swait.ge @!p0 [sflag:s0], s1  }
0x5f: {  	s1 =	ssub.s32 @!p0 $0x0, s1;
	[sflag:s0] =	ssyncset.done @!p0 $0x0  }
0x60: {  	[sflag:s0] =	ssyncadd.s32 @!p0 s1  }
0x61: {  	[bflag:$0x3] =	sbarrier.arrive $0xFFFF  }
0x62: {  	_ =	shalt  }

</sc_bundles>
